<compile_context>
chip_gen: v7x
topology: tpu7x:2x2x1
jax: 0.10.2.dev20260603
libtpu: 0.0.44.dev20260713+nightly
codegen_flags: <defaults>
</compile_context>

<pallas_src>
import functools

import jax
import jax.numpy as jnp
from jax import lax
from jax.experimental import pallas as pl
from jax.experimental.pallas import tpu as pltpu
from jax.experimental.pallas import tpu_sc as plsc

B, S, V, D = 1024, 200, 100000, 128
N = B * S

NC, NS = 2, 16
NW = NC * NS
NPW = N // NW
CHUNK = 128
NCHUNK = NPW // CHUNK
NBUF = 5

TBLK = 12288


def _fused_table_body(pt_ref, slk_ref, plk_ref, st_ref, po_ref, w_ref, b_ref,
                      out_ref):
    w0 = w_ref[0:D, :]
    w1 = w_ref[D:2 * D, :]
    w2 = w_ref[2 * D:3 * D, :]
    sproj = jnp.dot(st_ref[...], w1, preferred_element_type=jnp.float32)
    pproj = jnp.dot(po_ref[...], w2, preferred_element_type=jnp.float32)
    main = jnp.dot(pt_ref[...], w0, preferred_element_type=jnp.float32)
    iot_s = lax.broadcasted_iota(jnp.int32, (TBLK, 15), 1)
    iot_p = lax.broadcasted_iota(jnp.int32, (TBLK, 11), 1)
    oh_s = (slk_ref[...][:, None] == iot_s).astype(jnp.float32)
    oh_p = (plk_ref[...][:, None] == iot_p).astype(jnp.float32)
    out_ref[...] = (main
                    + jnp.dot(oh_s, sproj, preferred_element_type=jnp.float32)
                    + jnp.dot(oh_p, pproj, preferred_element_type=jnp.float32)
                    + b_ref[...])


def _build_fused_table(phoneme_table, sutra_table, position_table,
                       sutra_lookup, position_lookup, W, b):
    grid = pl.cdiv(V, TBLK)
    return pl.pallas_call(
        _fused_table_body,
        grid=(grid,),
        in_specs=[
            pl.BlockSpec((TBLK, D), lambda i: (i, 0)),
            pl.BlockSpec((TBLK,), lambda i: (i,)),
            pl.BlockSpec((TBLK,), lambda i: (i,)),
            pl.BlockSpec((15, D), lambda i: (0, 0)),
            pl.BlockSpec((11, D), lambda i: (0, 0)),
            pl.BlockSpec((3 * D, D), lambda i: (0, 0)),
            pl.BlockSpec((1, D), lambda i: (0, 0)),
        ],
        out_specs=pl.BlockSpec((TBLK, D), lambda i: (i, 0)),
        out_shape=jax.ShapeDtypeStruct((V, D), jnp.float32),
    )(phoneme_table, sutra_lookup, position_lookup,
      sutra_table, position_table, W, b[None, :])


def _gather_rows(table, idx):
    mesh = plsc.VectorSubcoreMesh(core_axis_name="c", subcore_axis_name="s")

    @functools.partial(
        pl.kernel,
        out_type=jax.ShapeDtypeStruct((N, D), jnp.float32),
        mesh=mesh,
        scratch_types=[
            pltpu.VMEM((NCHUNK, CHUNK), jnp.int32),
            pltpu.VMEM((NBUF, CHUNK, D), jnp.float32),
        ] + [pltpu.SemaphoreType.DMA] * (2 * NBUF),
    )
    def gather_kernel(table_hbm, idx_hbm, out_hbm, idx_v, rows_v, *sems):
        gsem, osem = sems[:NBUF], sems[NBUF:]
        wid = lax.axis_index("s") * NC + lax.axis_index("c")
        base = wid * NPW
        pltpu.sync_copy(idx_hbm.at[wid], idx_v)

        def gather_start(j, bi):
            pltpu.async_copy(table_hbm.at[idx_v.at[j]], rows_v.at[bi],
                             gsem[bi])

        def gather_wait(j, bi):
            pltpu.make_async_copy(table_hbm.at[idx_v.at[j]], rows_v.at[bi],
                                  gsem[bi]).wait()

        def out_start(j, bi):
            pltpu.async_copy(rows_v.at[bi],
                             out_hbm.at[pl.ds(base + j * CHUNK, CHUNK)],
                             osem[bi])

        def out_wait(j, bi):
            pltpu.make_async_copy(
                rows_v.at[bi], out_hbm.at[pl.ds(base + j * CHUNK, CHUNK)],
                osem[bi]).wait()

        for bi in range(NBUF):
            gather_start(bi, bi)
        gather_wait(0, 0)
        out_start(0, 0)

        def steady(j0):
            for dj in range(NBUF):
                j = j0 + dj
                nb = dj
                out_wait(j - 1, nb)
                gather_start(j + NBUF - 1, nb)
                bi = (dj + 1) % NBUF
                gather_wait(j, bi)
                out_start(j, bi)

        pl.loop(1, NCHUNK - NBUF + 1, step=NBUF)(steady)
        for j in range(NCHUNK - NBUF + 1, NCHUNK):
            bi = j % NBUF
            gather_wait(j, bi)
            out_start(j, bi)
        for j in range(NCHUNK - NBUF, NCHUNK):
            out_wait(j, j % NBUF)

    return gather_kernel(table, idx)


def kernel(phoneme_indices, phoneme_table, sutra_table, position_table,
           sutra_lookup, position_lookup, W, b):
    fused = _build_fused_table(phoneme_table, sutra_table, position_table,
                               sutra_lookup, position_lookup, W, b)
    idx = phoneme_indices.reshape(NW, NCHUNK, CHUNK).astype(jnp.int32)
    out = _gather_rows(fused, idx)
    return out.reshape(B, S, D)

# --- scband reference (transcript-rebuilt; emitter-appended) ---
"""Pipeline reference for scband-paramtatva-embedding-17875653886318 (READ-ONLY COPY).

The authoritative reference and input builder live on the scoring server;
editing this copy changes nothing except your own understanding.
"""

import jax, jax.numpy as jnp
import numpy as np

B, S, V, D = 1024, 200, 100000, 128

def setup_inputs(seed: int = 0) -> dict:
    key = jax.random.key(seed)
    k = jax.random.split(key, 7)
    return {
        "phoneme_indices": jax.random.randint(k[0], (B, S), 0, V),
        "phoneme_table": 0.02 * jax.random.normal(k[1], (V, D), dtype=jnp.float32),
        "sutra_table": 0.02 * jax.random.normal(k[2], (15, D), dtype=jnp.float32),
        "position_table": 0.02 * jax.random.normal(k[3], (11, D), dtype=jnp.float32),
        "sutra_lookup": jax.random.randint(k[4], (V,), 0, 15),
        "position_lookup": jax.random.randint(k[5], (V,), 0, 11),
        "W": jax.random.normal(k[6], (3 * D, D), dtype=jnp.float32) / np.sqrt(3 * D),
        "b": jnp.zeros((D,), dtype=jnp.float32),
    }

def reference(phoneme_indices, phoneme_table, sutra_table, position_table, sutra_lookup, position_lookup, W, b):
    # phoneme embedding lookup
    phoneme_embeds = jnp.take(phoneme_table, phoneme_indices, axis=0)  # [B, S, D]
    # graph feature lookups via buffer indirection
    sutra_indices = jnp.take(sutra_lookup, phoneme_indices, axis=0)      # [B, S]
    position_indices = jnp.take(position_lookup, phoneme_indices, axis=0)
    sutra_embeds = jnp.take(sutra_table, sutra_indices, axis=0)          # [B, S, D]
    position_embeds = jnp.take(position_table, position_indices, axis=0)
    combined = jnp.concatenate([phoneme_embeds, sutra_embeds, position_embeds], axis=-1)  # [B, S, 3D]
    # projection (torch Linear: x @ W^T + b; here W stored as [3D, D])
    output = combined @ W + b
    return output

if __name__ == "__main__":
    import jax
    _d = setup_inputs()
    print(jax.jit(kernel)(*tuple(_d.values())))

</pallas_src>

<mosaic_0001>
#map = affine_map<(d0, d1) -> (0, 0)>
#map1 = affine_map<(d0, d1) -> (0, 0, 0)>
module attributes {stable_mosaic.version = 14 : i64} {
  func.func @gather_kernel(%arg0: i32, %arg1: i32, %arg2: memref<100000x128xf32, #tpu.memory_space<hbm>>, %arg3: memref<32x50x128xi32, #tpu.memory_space<hbm>>, %arg4: memref<204800x128xf32, #tpu.memory_space<hbm>>, %arg5: memref<50x128xi32, #tpu.memory_space<vmem>>, %arg6: memref<5x128x128xf32, #tpu.memory_space<vmem>>, %arg7: memref<!tpu.dma_semaphore, #tpu.memory_space<semaphore_mem>>, %arg8: memref<!tpu.dma_semaphore, #tpu.memory_space<semaphore_mem>>, %arg9: memref<!tpu.dma_semaphore, #tpu.memory_space<semaphore_mem>>, %arg10: memref<!tpu.dma_semaphore, #tpu.memory_space<semaphore_mem>>, %arg11: memref<!tpu.dma_semaphore, #tpu.memory_space<semaphore_mem>>, %arg12: memref<!tpu.dma_semaphore, #tpu.memory_space<semaphore_mem>>, %arg13: memref<!tpu.dma_semaphore, #tpu.memory_space<semaphore_mem>>, %arg14: memref<!tpu.dma_semaphore, #tpu.memory_space<semaphore_mem>>, %arg15: memref<!tpu.dma_semaphore, #tpu.memory_space<semaphore_mem>>, %arg16: memref<!tpu.dma_semaphore, #tpu.memory_space<semaphore_mem>>) attributes {dimension_semantics = [#tpu.dimension_semantics<core_parallel>, #tpu.dimension_semantics<subcore_parallel>], iteration_bounds = array<i64: 2, 16>, scalar_prefetch = 0 : i64, scratch_operands = 12 : i64, tpu.core_type = #tpu.core_type<sc_vector_subcore>, window_params = [{transform_indices = #map}, {transform_indices = #map1}, {transform_indices = #map}]} {
    %mul3A = arith.constant 2 : i32
    %mul3A_0 = arith.muli %arg1, %mul3A : i32
    %add3A = arith.addi %mul3A_0, %arg0 : i32
    %mul3A_1 = arith.constant 6400 : i32
    %mul3A_2 = arith.muli %add3A, %mul3A_1 : i32
    "tpu.region"() ({
      %run_scoped3A = tpu.sem_alloc : memref<!tpu.dma_semaphore, #tpu.memory_space<semaphore_mem>>
      %dma_start3A_275 = arith.constant 0 : i32
      %dma_start3A_276 = arith.constant 0 : i32
      %dma_start3A_277 = tpu.memref_slice %arg3[%add3A, %dma_start3A_275, %dma_start3A_276] : memref<32x50x128xi32, #tpu.memory_space<hbm>> -> memref<1x50x128xi32, #tpu.memory_space<hbm>>
      %dma_start3A_278 = tpu.memref_squeeze %dma_start3A_277 : memref<1x50x128xi32, #tpu.memory_space<hbm>> -> memref<50x128xi32, #tpu.memory_space<hbm>>
      %dma_start3A_279 = arith.constant 0 : i32
      %dma_start3A_280 = arith.constant 0 : i32
      %dma_start3A_281 = tpu.memref_slice %arg3[%add3A, %dma_start3A_279, %dma_start3A_280] : memref<32x50x128xi32, #tpu.memory_space<hbm>> -> memref<1x50x128xi32, #tpu.memory_space<hbm>>
      %dma_start3A_282 = tpu.memref_squeeze %dma_start3A_281 : memref<1x50x128xi32, #tpu.memory_space<hbm>> -> memref<50x128xi32, #tpu.memory_space<hbm>>
      tpu.enqueue_dma source(%dma_start3A_282 : memref<50x128xi32, #tpu.memory_space<hbm>>) target(%arg5 : memref<50x128xi32, #tpu.memory_space<vmem>>) target_semaphore(%run_scoped3A : memref<!tpu.dma_semaphore, #tpu.memory_space<semaphore_mem>>)
      %dma_wait3A_283 = arith.constant 0 : i32
      %dma_wait3A_284 = arith.constant 0 : i32
      %dma_wait3A_285 = tpu.memref_slice %arg3[%add3A, %dma_wait3A_283, %dma_wait3A_284] : memref<32x50x128xi32, #tpu.memory_space<hbm>> -> memref<1x50x128xi32, #tpu.memory_space<hbm>>
      %dma_wait3A_286 = tpu.memref_squeeze %dma_wait3A_285 : memref<1x50x128xi32, #tpu.memory_space<hbm>> -> memref<50x128xi32, #tpu.memory_space<hbm>>
      %dma_wait3A_287 = arith.constant 0 : i32
      %dma_wait3A_288 = arith.constant 0 : i32
      %dma_wait3A_289 = tpu.memref_slice %arg3[%add3A, %dma_wait3A_287, %dma_wait3A_288] : memref<32x50x128xi32, #tpu.memory_space<hbm>> -> memref<1x50x128xi32, #tpu.memory_space<hbm>>
      %dma_wait3A_290 = tpu.memref_squeeze %dma_wait3A_289 : memref<1x50x128xi32, #tpu.memory_space<hbm>> -> memref<50x128xi32, #tpu.memory_space<hbm>>
      tpu.wait_dma2 semaphore(%run_scoped3A : memref<!tpu.dma_semaphore, #tpu.memory_space<semaphore_mem>>) src(%dma_wait3A_290 : memref<50x128xi32, #tpu.memory_space<hbm>>) dst(%arg5 : memref<50x128xi32, #tpu.memory_space<vmem>>)
      tpu.yield
    }) : () -> ()
    %dma_start3A = arith.constant 0 : i32
    %dma_start3A_3 = arith.constant 0 : i32
    %dma_start3A_4 = arith.constant 0 : i32
    %dma_start3A_5 = arith.constant 0 : i32
    %dma_start3A_6 = tpu.memref_slice %arg6[%dma_start3A_3, %dma_start3A_4, %dma_start3A_5] : memref<5x128x128xf32, #tpu.memory_space<vmem>> -> memref<1x128x128xf32, #tpu.memory_space<vmem>>
    %dma_start3A_7 = tpu.memref_squeeze %dma_start3A_6 : memref<1x128x128xf32, #tpu.memory_space<vmem>> -> memref<128x128xf32, #tpu.memory_space<vmem>>
    %dma_start3A_8 = arith.constant 0 : i32
    %dma_start3A_9 = tpu.memref_slice %arg5[%dma_start3A, %dma_start3A_8] : memref<50x128xi32, #tpu.memory_space<vmem>> -> memref<1x128xi32, #tpu.memory_space<vmem>>
    %dma_start3A_10 = tpu.memref_squeeze %dma_start3A_9 : memref<1x128xi32, #tpu.memory_space<vmem>> -> memref<128xi32, #tpu.memory_space<vmem>>
    %dma_start3A_11 = arith.constant 0 : i32
    %dma_start3A_12 = arith.constant 0 : i32
    %dma_start3A_13 = tpu.memref_slice %arg2[%dma_start3A_11, %dma_start3A_12] : memref<100000x128xf32, #tpu.memory_space<hbm>> -> memref<100000x128xf32, #tpu.memory_space<hbm>>
    tpu.enqueue_indirect_dma source(%dma_start3A_13 : memref<100000x128xf32, #tpu.memory_space<hbm>>) target(%dma_start3A_7 : memref<128x128xf32, #tpu.memory_space<vmem>>) offsets(%dma_start3A_10 : memref<128xi32, #tpu.memory_space<vmem>>) semaphore(%arg7 : memref<!tpu.dma_semaphore, #tpu.memory_space<semaphore_mem>>)
    %dma_start3A_14 = arith.constant 1 : i32
    %dma_start3A_15 = arith.constant 1 : i32
    %dma_start3A_16 = arith.constant 0 : i32
    %dma_start3A_17 = arith.constant 0 : i32
    %dma_start3A_18 = tpu.memref_slice %arg6[%dma_start3A_15, %dma_start3A_16, %dma_start3A_17] : memref<5x128x128xf32, #tpu.memory_space<vmem>> -> memref<1x128x128xf32, #tpu.memory_space<vmem>>
    %dma_start3A_19 = tpu.memref_squeeze %dma_start3A_18 : memref<1x128x128xf32, #tpu.memory_space<vmem>> -> memref<128x128xf32, #tpu.memory_space<vmem>>
    %dma_start3A_20 = arith.constant 0 : i32
    %dma_start3A_21 = tpu.memref_slice %arg5[%dma_start3A_14, %dma_start3A_20] : memref<50x128xi32, #tpu.memory_space<vmem>> -> memref<1x128xi32, #tpu.memory_space<vmem>>
    %dma_start3A_22 = tpu.memref_squeeze %dma_start3A_21 : memref<1x128xi32, #tpu.memory_space<vmem>> -> memref<128xi32, #tpu.memory_space<vmem>>
    %dma_start3A_23 = arith.constant 0 : i32
    %dma_start3A_24 = arith.constant 0 : i32
    %dma_start3A_25 = tpu.memref_slice %arg2[%dma_start3A_23, %dma_start3A_24] : memref<100000x128xf32, #tpu.memory_space<hbm>> -> memref<100000x128xf32, #tpu.memory_space<hbm>>
    tpu.enqueue_indirect_dma source(%dma_start3A_25 : memref<100000x128xf32, #tpu.memory_space<hbm>>) target(%dma_start3A_19 : memref<128x128xf32, #tpu.memory_space<vmem>>) offsets(%dma_start3A_22 : memref<128xi32, #tpu.memory_space<vmem>>) semaphore(%arg8 : memref<!tpu.dma_semaphore, #tpu.memory_space<semaphore_mem>>)
    %dma_start3A_26 = arith.constant 2 : i32
    %dma_start3A_27 = arith.constant 2 : i32
    %dma_start3A_28 = arith.constant 0 : i32
    %dma_start3A_29 = arith.constant 0 : i32
    %dma_start3A_30 = tpu.memref_slice %arg6[%dma_start3A_27, %dma_start3A_28, %dma_start3A_29] : memref<5x128x128xf32, #tpu.memory_space<vmem>> -> memref<1x128x128xf32, #tpu.memory_space<vmem>>
    %dma_start3A_31 = tpu.memref_squeeze %dma_start3A_30 : memref<1x128x128xf32, #tpu.memory_space<vmem>> -> memref<128x128xf32, #tpu.memory_space<vmem>>
    %dma_start3A_32 = arith.constant 0 : i32
    %dma_start3A_33 = tpu.memref_slice %arg5[%dma_start3A_26, %dma_start3A_32] : memref<50x128xi32, #tpu.memory_space<vmem>> -> memref<1x128xi32, #tpu.memory_space<vmem>>
    %dma_start3A_34 = tpu.memref_squeeze %dma_start3A_33 : memref<1x128xi32, #tpu.memory_space<vmem>> -> memref<128xi32, #tpu.memory_space<vmem>>
    %dma_start3A_35 = arith.constant 0 : i32
    %dma_start3A_36 = arith.constant 0 : i32
    %dma_start3A_37 = tpu.memref_slice %arg2[%dma_start3A_35, %dma_start3A_36] : memref<100000x128xf32, #tpu.memory_space<hbm>> -> memref<100000x128xf32, #tpu.memory_space<hbm>>
    tpu.enqueue_indirect_dma source(%dma_start3A_37 : memref<100000x128xf32, #tpu.memory_space<hbm>>) target(%dma_start3A_31 : memref<128x128xf32, #tpu.memory_space<vmem>>) offsets(%dma_start3A_34 : memref<128xi32, #tpu.memory_space<vmem>>) semaphore(%arg9 : memref<!tpu.dma_semaphore, #tpu.memory_space<semaphore_mem>>)
    %dma_start3A_38 = arith.constant 3 : i32
    %dma_start3A_39 = arith.constant 3 : i32
    %dma_start3A_40 = arith.constant 0 : i32
    %dma_start3A_41 = arith.constant 0 : i32
    %dma_start3A_42 = tpu.memref_slice %arg6[%dma_start3A_39, %dma_start3A_40, %dma_start3A_41] : memref<5x128x128xf32, #tpu.memory_space<vmem>> -> memref<1x128x128xf32, #tpu.memory_space<vmem>>
    %dma_start3A_43 = tpu.memref_squeeze %dma_start3A_42 : memref<1x128x128xf32, #tpu.memory_space<vmem>> -> memref<128x128xf32, #tpu.memory_space<vmem>>
    %dma_start3A_44 = arith.constant 0 : i32
    %dma_start3A_45 = tpu.memref_slice %arg5[%dma_start3A_38, %dma_start3A_44] : memref<50x128xi32, #tpu.memory_space<vmem>> -> memref<1x128xi32, #tpu.memory_space<vmem>>
    %dma_start3A_46 = tpu.memref_squeeze %dma_start3A_45 : memref<1x128xi32, #tpu.memory_space<vmem>> -> memref<128xi32, #tpu.memory_space<vmem>>
    %dma_start3A_47 = arith.constant 0 : i32
    %dma_start3A_48 = arith.constant 0 : i32
    %dma_start3A_49 = tpu.memref_slice %arg2[%dma_start3A_47, %dma_start3A_48] : memref<100000x128xf32, #tpu.memory_space<hbm>> -> memref<100000x128xf32, #tpu.memory_space<hbm>>
    tpu.enqueue_indirect_dma source(%dma_start3A_49 : memref<100000x128xf32, #tpu.memory_space<hbm>>) target(%dma_start3A_43 : memref<128x128xf32, #tpu.memory_space<vmem>>) offsets(%dma_start3A_46 : memref<128xi32, #tpu.memory_space<vmem>>) semaphore(%arg10 : memref<!tpu.dma_semaphore, #tpu.memory_space<semaphore_mem>>)
    %dma_start3A_50 = arith.constant 4 : i32
    %dma_start3A_51 = arith.constant 4 : i32
    %dma_start3A_52 = arith.constant 0 : i32
    %dma_start3A_53 = arith.constant 0 : i32
    %dma_start3A_54 = tpu.memref_slice %arg6[%dma_start3A_51, %dma_start3A_52, %dma_start3A_53] : memref<5x128x128xf32, #tpu.memory_space<vmem>> -> memref<1x128x128xf32, #tpu.memory_space<vmem>>
    %dma_start3A_55 = tpu.memref_squeeze %dma_start3A_54 : memref<1x128x128xf32, #tpu.memory_space<vmem>> -> memref<128x128xf32, #tpu.memory_space<vmem>>
    %dma_start3A_56 = arith.constant 0 : i32
    %dma_start3A_57 = tpu.memref_slice %arg5[%dma_start3A_50, %dma_start3A_56] : memref<50x128xi32, #tpu.memory_space<vmem>> -> memref<1x128xi32, #tpu.memory_space<vmem>>
    %dma_start3A_58 = tpu.memref_squeeze %dma_start3A_57 : memref<1x128xi32, #tpu.memory_space<vmem>> -> memref<128xi32, #tpu.memory_space<vmem>>
    %dma_start3A_59 = arith.constant 0 : i32
    %dma_start3A_60 = arith.constant 0 : i32
    %dma_start3A_61 = tpu.memref_slice %arg2[%dma_start3A_59, %dma_start3A_60] : memref<100000x128xf32, #tpu.memory_space<hbm>> -> memref<100000x128xf32, #tpu.memory_space<hbm>>
    tpu.enqueue_indirect_dma source(%dma_start3A_61 : memref<100000x128xf32, #tpu.memory_space<hbm>>) target(%dma_start3A_55 : memref<128x128xf32, #tpu.memory_space<vmem>>) offsets(%dma_start3A_58 : memref<128xi32, #tpu.memory_space<vmem>>) semaphore(%arg11 : memref<!tpu.dma_semaphore, #tpu.memory_space<semaphore_mem>>)
    %dma_wait3A = arith.constant 0 : i32
    %dma_wait3A_62 = arith.constant 0 : i32
    %dma_wait3A_63 = arith.constant 0 : i32
    %dma_wait3A_64 = arith.constant 0 : i32
    %dma_wait3A_65 = tpu.memref_slice %arg6[%dma_wait3A_62, %dma_wait3A_63, %dma_wait3A_64] : memref<5x128x128xf32, #tpu.memory_space<vmem>> -> memref<1x128x128xf32, #tpu.memory_space<vmem>>
    %dma_wait3A_66 = tpu.memref_squeeze %dma_wait3A_65 : memref<1x128x128xf32, #tpu.memory_space<vmem>> -> memref<128x128xf32, #tpu.memory_space<vmem>>
    %dma_wait3A_67 = arith.constant 0 : i32
    %dma_wait3A_68 = tpu.memref_slice %arg5[%dma_wait3A, %dma_wait3A_67] : memref<50x128xi32, #tpu.memory_space<vmem>> -> memref<1x128xi32, #tpu.memory_space<vmem>>
    %dma_wait3A_69 = tpu.memref_squeeze %dma_wait3A_68 : memref<1x128xi32, #tpu.memory_space<vmem>> -> memref<128xi32, #tpu.memory_space<vmem>>
    %dma_wait3A_70 = arith.constant 0 : i32
    %dma_wait3A_71 = arith.constant 0 : i32
    %dma_wait3A_72 = tpu.memref_slice %arg2[%dma_wait3A_70, %dma_wait3A_71] : memref<100000x128xf32, #tpu.memory_space<hbm>> -> memref<100000x128xf32, #tpu.memory_space<hbm>>
    tpu.wait_indirect_dma semaphore(%arg7 : memref<!tpu.dma_semaphore, #tpu.memory_space<semaphore_mem>>) src(%dma_wait3A_72 : memref<100000x128xf32, #tpu.memory_space<hbm>>) dst(%dma_wait3A_66 : memref<128x128xf32, #tpu.memory_space<vmem>>)
    %add3A_73 = arith.constant 0 : i32
    %add3A_74 = arith.addi %mul3A_2, %add3A_73 : i32
    %dma_start3A_75 = arith.constant 0 : i32
    %dma_start3A_76 = arith.constant 0 : i32
    %dma_start3A_77 = arith.constant 0 : i32
    %dma_start3A_78 = tpu.memref_slice %arg6[%dma_start3A_75, %dma_start3A_76, %dma_start3A_77] : memref<5x128x128xf32, #tpu.memory_space<vmem>> -> memref<1x128x128xf32, #tpu.memory_space<vmem>>
    %dma_start3A_79 = tpu.memref_squeeze %dma_start3A_78 : memref<1x128x128xf32, #tpu.memory_space<vmem>> -> memref<128x128xf32, #tpu.memory_space<vmem>>
    %dma_start3A_80 = arith.constant 0 : i32
    %dma_start3A_81 = tpu.memref_slice %arg4[%add3A_74, %dma_start3A_80] : memref<204800x128xf32, #tpu.memory_space<hbm>> -> memref<128x128xf32, #tpu.memory_space<hbm>>
    %dma_start3A_82 = arith.constant 0 : i32
    %dma_start3A_83 = tpu.memref_slice %arg4[%add3A_74, %dma_start3A_82] : memref<204800x128xf32, #tpu.memory_space<hbm>> -> memref<128x128xf32, #tpu.memory_space<hbm>>
    %dma_start3A_84 = arith.constant 0 : i32
    %dma_start3A_85 = arith.constant 0 : i32
    %dma_start3A_86 = tpu.memref_slice %arg6[%dma_start3A_75, %dma_start3A_84, %dma_start3A_85] : memref<5x128x128xf32, #tpu.memory_space<vmem>> -> memref<1x128x128xf32, #tpu.memory_space<vmem>>
    %dma_start3A_87 = tpu.memref_squeeze %dma_start3A_86 : memref<1x128x128xf32, #tpu.memory_space<vmem>> -> memref<128x128xf32, #tpu.memory_space<vmem>>
    tpu.enqueue_dma source(%dma_start3A_87 : memref<128x128xf32, #tpu.memory_space<vmem>>) target(%dma_start3A_83 : memref<128x128xf32, #tpu.memory_space<hbm>>) target_semaphore(%arg12 : memref<!tpu.dma_semaphore, #tpu.memory_space<semaphore_mem>>)
    %scan3A = arith.constant 0 : i32
    %scan3A_88 = arith.constant 9 : i32
    %scan3A_89 = arith.addi %scan3A, %scan3A_88 : i32
    %scan3A_90 = arith.constant 1 : i32
    scf.for %scan3A_275 = %scan3A to %scan3A_89 step %scan3A_90  : i32 {
      %mul3A_276 = arith.constant 5 : i32
      %mul3A_277 = arith.muli %scan3A_275, %mul3A_276 : i32
      %add3A_278 = arith.constant 1 : i32
      %add3A_279 = arith.addi %add3A_278, %mul3A_277 : i32
      %add3A_280 = arith.constant 0 : i32
      %add3A_281 = arith.addi %add3A_279, %add3A_280 : i32
      %sub3A = arith.constant 1 : i32
      %sub3A_282 = arith.subi %add3A_281, %sub3A : i32
      %mul3A_283 = arith.constant 128 : i32
      %mul3A_284 = arith.muli %sub3A_282, %mul3A_283 : i32
      %add3A_285 = arith.addi %mul3A_2, %mul3A_284 : i32
      %dma_wait3A_286 = arith.constant 0 : i32
      %dma_wait3A_287 = arith.constant 0 : i32
      %dma_wait3A_288 = arith.constant 0 : i32
      %dma_wait3A_289 = tpu.memref_slice %arg6[%dma_wait3A_286, %dma_wait3A_287, %dma_wait3A_288] : memref<5x128x128xf32, #tpu.memory_space<vmem>> -> memref<1x128x128xf32, #tpu.memory_space<vmem>>
      %dma_wait3A_290 = tpu.memref_squeeze %dma_wait3A_289 : memref<1x128x128xf32, #tpu.memory_space<vmem>> -> memref<128x128xf32, #tpu.memory_space<vmem>>
      %dma_wait3A_291 = arith.constant 0 : i32
      %dma_wait3A_292 = tpu.memref_slice %arg4[%add3A_285, %dma_wait3A_291] : memref<204800x128xf32, #tpu.memory_space<hbm>> -> memref<128x128xf32, #tpu.memory_space<hbm>>
      %dma_wait3A_293 = arith.constant 0 : i32
      %dma_wait3A_294 = tpu.memref_slice %arg4[%add3A_285, %dma_wait3A_293] : memref<204800x128xf32, #tpu.memory_space<hbm>> -> memref<128x128xf32, #tpu.memory_space<hbm>>
      %dma_wait3A_295 = arith.constant 0 : i32
      %dma_wait3A_296 = arith.constant 0 : i32
      %dma_wait3A_297 = tpu.memref_slice %arg6[%dma_wait3A_286, %dma_wait3A_295, %dma_wait3A_296] : memref<5x128x128xf32, #tpu.memory_space<vmem>> -> memref<1x128x128xf32, #tpu.memory_space<vmem>>
      %dma_wait3A_298 = tpu.memref_squeeze %dma_wait3A_297 : memref<1x128x128xf32, #tpu.memory_space<vmem>> -> memref<128x128xf32, #tpu.memory_space<vmem>>
      tpu.wait_dma2 semaphore(%arg12 : memref<!tpu.dma_semaphore, #tpu.memory_space<semaphore_mem>>) src(%dma_wait3A_298 : memref<128x128xf32, #tpu.memory_space<vmem>>) dst(%dma_wait3A_294 : memref<128x128xf32, #tpu.memory_space<hbm>>)
      %add3A_299 = arith.constant 5 : i32
      %add3A_300 = arith.addi %add3A_281, %add3A_299 : i32
      %sub3A_301 = arith.constant 1 : i32
      %sub3A_302 = arith.subi %add3A_300, %sub3A_301 : i32
      %dma_start3A_303 = arith.constant 0 : i32
      %dma_start3A_304 = arith.constant 0 : i32
      %dma_start3A_305 = arith.constant 0 : i32
      %dma_start3A_306 = tpu.memref_slice %arg6[%dma_start3A_303, %dma_start3A_304, %dma_start3A_305] : memref<5x128x128xf32, #tpu.memory_space<vmem>> -> memref<1x128x128xf32, #tpu.memory_space<vmem>>
      %dma_start3A_307 = tpu.memref_squeeze %dma_start3A_306 : memref<1x128x128xf32, #tpu.memory_space<vmem>> -> memref<128x128xf32, #tpu.memory_space<vmem>>
      %dma_start3A_308 = arith.constant 0 : i32
      %dma_start3A_309 = tpu.memref_slice %arg5[%sub3A_302, %dma_start3A_308] : memref<50x128xi32, #tpu.memory_space<vmem>> -> memref<1x128xi32, #tpu.memory_space<vmem>>
      %dma_start3A_310 = tpu.memref_squeeze %dma_start3A_309 : memref<1x128xi32, #tpu.memory_space<vmem>> -> memref<128xi32, #tpu.memory_space<vmem>>
      %dma_start3A_311 = arith.constant 0 : i32
      %dma_start3A_312 = arith.constant 0 : i32
      %dma_start3A_313 = tpu.memref_slice %arg2[%dma_start3A_311, %dma_start3A_312] : memref<100000x128xf32, #tpu.memory_space<hbm>> -> memref<100000x128xf32, #tpu.memory_space<hbm>>
      tpu.enqueue_indirect_dma source(%dma_start3A_313 : memref<100000x128xf32, #tpu.memory_space<hbm>>) target(%dma_start3A_307 : memref<128x128xf32, #tpu.memory_space<vmem>>) offsets(%dma_start3A_310 : memref<128xi32, #tpu.memory_space<vmem>>) semaphore(%arg7 : memref<!tpu.dma_semaphore, #tpu.memory_space<semaphore_mem>>)
      %dma_wait3A_314 = arith.constant 1 : i32
      %dma_wait3A_315 = arith.constant 0 : i32
      %dma_wait3A_316 = arith.constant 0 : i32
      %dma_wait3A_317 = tpu.memref_slice %arg6[%dma_wait3A_314, %dma_wait3A_315, %dma_wait3A_316] : memref<5x128x128xf32, #tpu.memory_space<vmem>> -> memref<1x128x128xf32, #tpu.memory_space<vmem>>
      %dma_wait3A_318 = tpu.memref_squeeze %dma_wait3A_317 : memref<1x128x128xf32, #tpu.memory_space<vmem>> -> memref<128x128xf32, #tpu.memory_space<vmem>>
      %dma_wait3A_319 = arith.constant 0 : i32
      %dma_wait3A_320 = tpu.memref_slice %arg5[%add3A_281, %dma_wait3A_319] : memref<50x128xi32, #tpu.memory_space<vmem>> -> memref<1x128xi32, #tpu.memory_space<vmem>>
      %dma_wait3A_321 = tpu.memref_squeeze %dma_wait3A_320 : memref<1x128xi32, #tpu.memory_space<vmem>> -> memref<128xi32, #tpu.memory_space<vmem>>
      %dma_wait3A_322 = arith.constant 0 : i32
      %dma_wait3A_323 = arith.constant 0 : i32
      %dma_wait3A_324 = tpu.memref_slice %arg2[%dma_wait3A_322, %dma_wait3A_323] : memref<100000x128xf32, #tpu.memory_space<hbm>> -> memref<100000x128xf32, #tpu.memory_space<hbm>>
      tpu.wait_indirect_dma semaphore(%arg8 : memref<!tpu.dma_semaphore, #tpu.memory_space<semaphore_mem>>) src(%dma_wait3A_324 : memref<100000x128xf32, #tpu.memory_space<hbm>>) dst(%dma_wait3A_318 : memref<128x128xf32, #tpu.memory_space<vmem>>)
      %mul3A_325 = arith.constant 128 : i32
      %mul3A_326 = arith.muli %add3A_281, %mul3A_325 : i32
      %add3A_327 = arith.addi %mul3A_2, %mul3A_326 : i32
      %dma_start3A_328 = arith.constant 1 : i32
      %dma_start3A_329 = arith.constant 0 : i32
      %dma_start3A_330 = arith.constant 0 : i32
      %dma_start3A_331 = tpu.memref_slice %arg6[%dma_start3A_328, %dma_start3A_329, %dma_start3A_330] : memref<5x128x128xf32, #tpu.memory_space<vmem>> -> memref<1x128x128xf32, #tpu.memory_space<vmem>>
      %dma_start3A_332 = tpu.memref_squeeze %dma_start3A_331 : memref<1x128x128xf32, #tpu.memory_space<vmem>> -> memref<128x128xf32, #tpu.memory_space<vmem>>
      %dma_start3A_333 = arith.constant 0 : i32
      %dma_start3A_334 = tpu.memref_slice %arg4[%add3A_327, %dma_start3A_333] : memref<204800x128xf32, #tpu.memory_space<hbm>> -> memref<128x128xf32, #tpu.memory_space<hbm>>
      %dma_start3A_335 = arith.constant 0 : i32
      %dma_start3A_336 = tpu.memref_slice %arg4[%add3A_327, %dma_start3A_335] : memref<204800x128xf32, #tpu.memory_space<hbm>> -> memref<128x128xf32, #tpu.memory_space<hbm>>
      %dma_start3A_337 = arith.constant 0 : i32
      %dma_start3A_338 = arith.constant 0 : i32
      %dma_start3A_339 = tpu.memref_slice %arg6[%dma_start3A_328, %dma_start3A_337, %dma_start3A_338] : memref<5x128x128xf32, #tpu.memory_space<vmem>> -> memref<1x128x128xf32, #tpu.memory_space<vmem>>
      %dma_start3A_340 = tpu.memref_squeeze %dma_start3A_339 : memref<1x128x128xf32, #tpu.memory_space<vmem>> -> memref<128x128xf32, #tpu.memory_space<vmem>>
      tpu.enqueue_dma source(%dma_start3A_340 : memref<128x128xf32, #tpu.memory_space<vmem>>) target(%dma_start3A_336 : memref<128x128xf32, #tpu.memory_space<hbm>>) target_semaphore(%arg13 : memref<!tpu.dma_semaphore, #tpu.memory_space<semaphore_mem>>)
      %add3A_341 = arith.constant 1 : i32
      %add3A_342 = arith.addi %add3A_279, %add3A_341 : i32
      %sub3A_343 = arith.constant 1 : i32
      %sub3A_344 = arith.subi %add3A_342, %sub3A_343 : i32
      %mul3A_345 = arith.constant 128 : i32
      %mul3A_346 = arith.muli %sub3A_344, %mul3A_345 : i32
      %add3A_347 = arith.addi %mul3A_2, %mul3A_346 : i32
      %dma_wait3A_348 = arith.constant 1 : i32
      %dma_wait3A_349 = arith.constant 0 : i32
      %dma_wait3A_350 = arith.constant 0 : i32
      %dma_wait3A_351 = tpu.memref_slice %arg6[%dma_wait3A_348, %dma_wait3A_349, %dma_wait3A_350] : memref<5x128x128xf32, #tpu.memory_space<vmem>> -> memref<1x128x128xf32, #tpu.memory_space<vmem>>
      %dma_wait3A_352 = tpu.memref_squeeze %dma_wait3A_351 : memref<1x128x128xf32, #tpu.memory_space<vmem>> -> memref<128x128xf32, #tpu.memory_space<vmem>>
      %dma_wait3A_353 = arith.constant 0 : i32
      %dma_wait3A_354 = tpu.memref_slice %arg4[%add3A_347, %dma_wait3A_353] : memref<204800x128xf32, #tpu.memory_space<hbm>> -> memref<128x128xf32, #tpu.memory_space<hbm>>
      %dma_wait3A_355 = arith.constant 0 : i32
      %dma_wait3A_356 = tpu.memref_slice %arg4[%add3A_347, %dma_wait3A_355] : memref<204800x128xf32, #tpu.memory_space<hbm>> -> memref<128x128xf32, #tpu.memory_space<hbm>>
      %dma_wait3A_357 = arith.constant 0 : i32
      %dma_wait3A_358 = arith.constant 0 : i32
      %dma_wait3A_359 = tpu.memref_slice %arg6[%dma_wait3A_348, %dma_wait3A_357, %dma_wait3A_358] : memref<5x128x128xf32, #tpu.memory_space<vmem>> -> memref<1x128x128xf32, #tpu.memory_space<vmem>>
      %dma_wait3A_360 = tpu.memref_squeeze %dma_wait3A_359 : memref<1x128x128xf32, #tpu.memory_space<vmem>> -> memref<128x128xf32, #tpu.memory_space<vmem>>
      tpu.wait_dma2 semaphore(%arg13 : memref<!tpu.dma_semaphore, #tpu.memory_space<semaphore_mem>>) src(%dma_wait3A_360 : memref<128x128xf32, #tpu.memory_space<vmem>>) dst(%dma_wait3A_356 : memref<128x128xf32, #tpu.memory_space<hbm>>)
      %add3A_361 = arith.constant 5 : i32
      %add3A_362 = arith.addi %add3A_342, %add3A_361 : i32
      %sub3A_363 = arith.constant 1 : i32
      %sub3A_364 = arith.subi %add3A_362, %sub3A_363 : i32
      %dma_start3A_365 = arith.constant 1 : i32
      %dma_start3A_366 = arith.constant 0 : i32
      %dma_start3A_367 = arith.constant 0 : i32
      %dma_start3A_368 = tpu.memref_slice %arg6[%dma_start3A_365, %dma_start3A_366, %dma_start3A_367] : memref<5x128x128xf32, #tpu.memory_space<vmem>> -> memref<1x128x128xf32, #tpu.memory_space<vmem>>
      %dma_start3A_369 = tpu.memref_squeeze %dma_start3A_368 : memref<1x128x128xf32, #tpu.memory_space<vmem>> -> memref<128x128xf32, #tpu.memory_space<vmem>>
      %dma_start3A_370 = arith.constant 0 : i32
      %dma_start3A_371 = tpu.memref_slice %arg5[%sub3A_364, %dma_start3A_370] : memref<50x128xi32, #tpu.memory_space<vmem>> -> memref<1x128xi32, #tpu.memory_space<vmem>>
      %dma_start3A_372 = tpu.memref_squeeze %dma_start3A_371 : memref<1x128xi32, #tpu.memory_space<vmem>> -> memref<128xi32, #tpu.memory_space<vmem>>
      %dma_start3A_373 = arith.constant 0 : i32
      %dma_start3A_374 = arith.constant 0 : i32
      %dma_start3A_375 = tpu.memref_slice %arg2[%dma_start3A_373, %dma_start3A_374] : memref<100000x128xf32, #tpu.memory_space<hbm>> -> memref<100000x128xf32, #tpu.memory_space<hbm>>
      tpu.enqueue_indirect_dma source(%dma_start3A_375 : memref<100000x128xf32, #tpu.memory_space<hbm>>) target(%dma_start3A_369 : memref<128x128xf32, #tpu.memory_space<vmem>>) offsets(%dma_start3A_372 : memref<128xi32, #tpu.memory_space<vmem>>) semaphore(%arg8 : memref<!tpu.dma_semaphore, #tpu.memory_space<semaphore_mem>>)
      %dma_wait3A_376 = arith.constant 2 : i32
      %dma_wait3A_377 = arith.constant 0 : i32
      %dma_wait3A_378 = arith.constant 0 : i32
      %dma_wait3A_379 = tpu.memref_slice %arg6[%dma_wait3A_376, %dma_wait3A_377, %dma_wait3A_378] : memref<5x128x128xf32, #tpu.memory_space<vmem>> -> memref<1x128x128xf32, #tpu.memory_space<vmem>>
      %dma_wait3A_380 = tpu.memref_squeeze %dma_wait3A_379 : memref<1x128x128xf32, #tpu.memory_space<vmem>> -> memref<128x128xf32, #tpu.memory_space<vmem>>
      %dma_wait3A_381 = arith.constant 0 : i32
      %dma_wait3A_382 = tpu.memref_slice %arg5[%add3A_342, %dma_wait3A_381] : memref<50x128xi32, #tpu.memory_space<vmem>> -> memref<1x128xi32, #tpu.memory_space<vmem>>
      %dma_wait3A_383 = tpu.memref_squeeze %dma_wait3A_382 : memref<1x128xi32, #tpu.memory_space<vmem>> -> memref<128xi32, #tpu.memory_space<vmem>>
      %dma_wait3A_384 = arith.constant 0 : i32
      %dma_wait3A_385 = arith.constant 0 : i32
      %dma_wait3A_386 = tpu.memref_slice %arg2[%dma_wait3A_384, %dma_wait3A_385] : memref<100000x128xf32, #tpu.memory_space<hbm>> -> memref<100000x128xf32, #tpu.memory_space<hbm>>
      tpu.wait_indirect_dma semaphore(%arg9 : memref<!tpu.dma_semaphore, #tpu.memory_space<semaphore_mem>>) src(%dma_wait3A_386 : memref<100000x128xf32, #tpu.memory_space<hbm>>) dst(%dma_wait3A_380 : memref<128x128xf32, #tpu.memory_space<vmem>>)
      %mul3A_387 = arith.constant 128 : i32
      %mul3A_388 = arith.muli %add3A_342, %mul3A_387 : i32
      %add3A_389 = arith.addi %mul3A_2, %mul3A_388 : i32
      %dma_start3A_390 = arith.constant 2 : i32
      %dma_start3A_391 = arith.constant 0 : i32
      %dma_start3A_392 = arith.constant 0 : i32
      %dma_start3A_393 = tpu.memref_slice %arg6[%dma_start3A_390, %dma_start3A_391, %dma_start3A_392] : memref<5x128x128xf32, #tpu.memory_space<vmem>> -> memref<1x128x128xf32, #tpu.memory_space<vmem>>
      %dma_start3A_394 = tpu.memref_squeeze %dma_start3A_393 : memref<1x128x128xf32, #tpu.memory_space<vmem>> -> memref<128x128xf32, #tpu.memory_space<vmem>>
      %dma_start3A_395 = arith.constant 0 : i32
      %dma_start3A_396 = tpu.memref_slice %arg4[%add3A_389, %dma_start3A_395] : memref<204800x128xf32, #tpu.memory_space<hbm>> -> memref<128x128xf32, #tpu.memory_space<hbm>>
      %dma_start3A_397 = arith.constant 0 : i32
      %dma_start3A_398 = tpu.memref_slice %arg4[%add3A_389, %dma_start3A_397] : memref<204800x128xf32, #tpu.memory_space<hbm>> -> memref<128x128xf32, #tpu.memory_space<hbm>>
      %dma_start3A_399 = arith.constant 0 : i32
      %dma_start3A_400 = arith.constant 0 : i32
      %dma_start3A_401 = tpu.memref_slice %arg6[%dma_start3A_390, %dma_start3A_399, %dma_start3A_400] : memref<5x128x128xf32, #tpu.memory_space<vmem>> -> memref<1x128x128xf32, #tpu.memory_space<vmem>>
      %dma_start3A_402 = tpu.memref_squeeze %dma_start3A_401 : memref<1x128x128xf32, #tpu.memory_space<vmem>> -> memref<128x128xf32, #tpu.memory_space<vmem>>
      tpu.enqueue_dma source(%dma_start3A_402 : memref<128x128xf32, #tpu.memory_space<vmem>>) target(%dma_start3A_398 : memref<128x128xf32, #tpu.memory_space<hbm>>) target_semaphore(%arg14 : memref<!tpu.dma_semaphore, #tpu.memory_space<semaphore_mem>>)
      %add3A_403 = arith.constant 2 : i32
      %add3A_404 = arith.addi %add3A_279, %add3A_403 : i32
      %sub3A_405 = arith.constant 1 : i32
      %sub3A_406 = arith.subi %add3A_404, %sub3A_405 : i32
      %mul3A_407 = arith.constant 128 : i32
      %mul3A_408 = arith.muli %sub3A_406, %mul3A_407 : i32
      %add3A_409 = arith.addi %mul3A_2, %mul3A_408 : i32
      %dma_wait3A_410 = arith.constant 2 : i32
      %dma_wait3A_411 = arith.constant 0 : i32
      %dma_wait3A_412 = arith.constant 0 : i32
      %dma_wait3A_413 = tpu.memref_slice %arg6[%dma_wait3A_410, %dma_wait3A_411, %dma_wait3A_412] : memref<5x128x128xf32, #tpu.memory_space<vmem>> -> memref<1x128x128xf32, #tpu.memory_space<vmem>>
      %dma_wait3A_414 = tpu.memref_squeeze %dma_wait3A_413 : memref<1x128x128xf32, #tpu.memory_space<vmem>> -> memref<128x128xf32, #tpu.memory_space<vmem>>
      %dma_wait3A_415 = arith.constant 0 : i32
      %dma_wait3A_416 = tpu.memref_slice %arg4[%add3A_409, %dma_wait3A_415] : memref<204800x128xf32, #tpu.memory_space<hbm>> -> memref<128x128xf32, #tpu.memory_space<hbm>>
      %dma_wait3A_417 = arith.constant 0 : i32
      %dma_wait3A_418 = tpu.memref_slice %arg4[%add3A_409, %dma_wait3A_417] : memref<204800x128xf32, #tpu.memory_space<hbm>> -> memref<128x128xf32, #tpu.memory_space<hbm>>
      %dma_wait3A_419 = arith.constant 0 : i32
      %dma_wait3A_420 = arith.constant 0 : i32
      %dma_wait3A_421 = tpu.memref_slice %arg6[%dma_wait3A_410, %dma_wait3A_419, %dma_wait3A_420] : memref<5x128x128xf32, #tpu.memory_space<vmem>> -> memref<1x128x128xf32, #tpu.memory_space<vmem>>
      %dma_wait3A_422 = tpu.memref_squeeze %dma_wait3A_421 : memref<1x128x128xf32, #tpu.memory_space<vmem>> -> memref<128x128xf32, #tpu.memory_space<vmem>>
      tpu.wait_dma2 semaphore(%arg14 : memref<!tpu.dma_semaphore, #tpu.memory_space<semaphore_mem>>) src(%dma_wait3A_422 : memref<128x128xf32, #tpu.memory_space<vmem>>) dst(%dma_wait3A_418 : memref<128x128xf32, #tpu.memory_space<hbm>>)
      %add3A_423 = arith.constant 5 : i32
      %add3A_424 = arith.addi %add3A_404, %add3A_423 : i32
      %sub3A_425 = arith.constant 1 : i32
      %sub3A_426 = arith.subi %add3A_424, %sub3A_425 : i32
      %dma_start3A_427 = arith.constant 2 : i32
      %dma_start3A_428 = arith.constant 0 : i32
      %dma_start3A_429 = arith.constant 0 : i32
      %dma_start3A_430 = tpu.memref_slice %arg6[%dma_start3A_427, %dma_start3A_428, %dma_start3A_429] : memref<5x128x128xf32, #tpu.memory_space<vmem>> -> memref<1x128x128xf32, #tpu.memory_space<vmem>>
      %dma_start3A_431 = tpu.memref_squeeze %dma_start3A_430 : memref<1x128x128xf32, #tpu.memory_space<vmem>> -> memref<128x128xf32, #tpu.memory_space<vmem>>
      %dma_start3A_432 = arith.constant 0 : i32
      %dma_start3A_433 = tpu.memref_slice %arg5[%sub3A_426, %dma_start3A_432] : memref<50x128xi32, #tpu.memory_space<vmem>> -> memref<1x128xi32, #tpu.memory_space<vmem>>
      %dma_start3A_434 = tpu.memref_squeeze %dma_start3A_433 : memref<1x128xi32, #tpu.memory_space<vmem>> -> memref<128xi32, #tpu.memory_space<vmem>>
      %dma_start3A_435 = arith.constant 0 : i32
      %dma_start3A_436 = arith.constant 0 : i32
      %dma_start3A_437 = tpu.memref_slice %arg2[%dma_start3A_435, %dma_start3A_436] : memref<100000x128xf32, #tpu.memory_space<hbm>> -> memref<100000x128xf32, #tpu.memory_space<hbm>>
      tpu.enqueue_indirect_dma source(%dma_start3A_437 : memref<100000x128xf32, #tpu.memory_space<hbm>>) target(%dma_start3A_431 : memref<128x128xf32, #tpu.memory_space<vmem>>) offsets(%dma_start3A_434 : memref<128xi32, #tpu.memory_space<vmem>>) semaphore(%arg9 : memref<!tpu.dma_semaphore, #tpu.memory_space<semaphore_mem>>)
      %dma_wait3A_438 = arith.constant 3 : i32
      %dma_wait3A_439 = arith.constant 0 : i32
      %dma_wait3A_440 = arith.constant 0 : i32
      %dma_wait3A_441 = tpu.memref_slice %arg6[%dma_wait3A_438, %dma_wait3A_439, %dma_wait3A_440] : memref<5x128x128xf32, #tpu.memory_space<vmem>> -> memref<1x128x128xf32, #tpu.memory_space<vmem>>
      %dma_wait3A_442 = tpu.memref_squeeze %dma_wait3A_441 : memref<1x128x128xf32, #tpu.memory_space<vmem>> -> memref<128x128xf32, #tpu.memory_space<vmem>>
      %dma_wait3A_443 = arith.constant 0 : i32
      %dma_wait3A_444 = tpu.memref_slice %arg5[%add3A_404, %dma_wait3A_443] : memref<50x128xi32, #tpu.memory_space<vmem>> -> memref<1x128xi32, #tpu.memory_space<vmem>>
      %dma_wait3A_445 = tpu.memref_squeeze %dma_wait3A_444 : memref<1x128xi32, #tpu.memory_space<vmem>> -> memref<128xi32, #tpu.memory_space<vmem>>
      %dma_wait3A_446 = arith.constant 0 : i32
      %dma_wait3A_447 = arith.constant 0 : i32
      %dma_wait3A_448 = tpu.memref_slice %arg2[%dma_wait3A_446, %dma_wait3A_447] : memref<100000x128xf32, #tpu.memory_space<hbm>> -> memref<100000x128xf32, #tpu.memory_space<hbm>>
      tpu.wait_indirect_dma semaphore(%arg10 : memref<!tpu.dma_semaphore, #tpu.memory_space<semaphore_mem>>) src(%dma_wait3A_448 : memref<100000x128xf32, #tpu.memory_space<hbm>>) dst(%dma_wait3A_442 : memref<128x128xf32, #tpu.memory_space<vmem>>)
      %mul3A_449 = arith.constant 128 : i32
      %mul3A_450 = arith.muli %add3A_404, %mul3A_449 : i32
      %add3A_451 = arith.addi %mul3A_2, %mul3A_450 : i32
      %dma_start3A_452 = arith.constant 3 : i32
      %dma_start3A_453 = arith.constant 0 : i32
      %dma_start3A_454 = arith.constant 0 : i32
      %dma_start3A_455 = tpu.memref_slice %arg6[%dma_start3A_452, %dma_start3A_453, %dma_start3A_454] : memref<5x128x128xf32, #tpu.memory_space<vmem>> -> memref<1x128x128xf32, #tpu.memory_space<vmem>>
      %dma_start3A_456 = tpu.memref_squeeze %dma_start3A_455 : memref<1x128x128xf32, #tpu.memory_space<vmem>> -> memref<128x128xf32, #tpu.memory_space<vmem>>
      %dma_start3A_457 = arith.constant 0 : i32
      %dma_start3A_458 = tpu.memref_slice %arg4[%add3A_451, %dma_start3A_457] : memref<204800x128xf32, #tpu.memory_space<hbm>> -> memref<128x128xf32, #tpu.memory_space<hbm>>
      %dma_start3A_459 = arith.constant 0 : i32
      %dma_start3A_460 = tpu.memref_slice %arg4[%add3A_451, %dma_start3A_459] : memref<204800x128xf32, #tpu.memory_space<hbm>> -> memref<128x128xf32, #tpu.memory_space<hbm>>
      %dma_start3A_461 = arith.constant 0 : i32
      %dma_start3A_462 = arith.constant 0 : i32
      %dma_start3A_463 = tpu.memref_slice %arg6[%dma_start3A_452, %dma_start3A_461, %dma_start3A_462] : memref<5x128x128xf32, #tpu.memory_space<vmem>> -> memref<1x128x128xf32, #tpu.memory_space<vmem>>
      %dma_start3A_464 = tpu.memref_squeeze %dma_start3A_463 : memref<1x128x128xf32, #tpu.memory_space<vmem>> -> memref<128x128xf32, #tpu.memory_space<vmem>>
      tpu.enqueue_dma source(%dma_start3A_464 : memref<128x128xf32, #tpu.memory_space<vmem>>) target(%dma_start3A_460 : memref<128x128xf32, #tpu.memory_space<hbm>>) target_semaphore(%arg15 : memref<!tpu.dma_semaphore, #tpu.memory_space<semaphore_mem>>)
      %add3A_465 = arith.constant 3 : i32
      %add3A_466 = arith.addi %add3A_279, %add3A_465 : i32
      %sub3A_467 = arith.constant 1 : i32
      %sub3A_468 = arith.subi %add3A_466, %sub3A_467 : i32
      %mul3A_469 = arith.constant 128 : i32
      %mul3A_470 = arith.muli %sub3A_468, %mul3A_469 : i32
      %add3A_471 = arith.addi %mul3A_2, %mul3A_470 : i32
      %dma_wait3A_472 = arith.constant 3 : i32
      %dma_wait3A_473 = arith.constant 0 : i32
      %dma_wait3A_474 = arith.constant 0 : i32
      %dma_wait3A_475 = tpu.memref_slice %arg6[%dma_wait3A_472, %dma_wait3A_473, %dma_wait3A_474] : memref<5x128x128xf32, #tpu.memory_space<vmem>> -> memref<1x128x128xf32, #tpu.memory_space<vmem>>
      %dma_wait3A_476 = tpu.memref_squeeze %dma_wait3A_475 : memref<1x128x128xf32, #tpu.memory_space<vmem>> -> memref<128x128xf32, #tpu.memory_space<vmem>>
      %dma_wait3A_477 = arith.constant 0 : i32
      %dma_wait3A_478 = tpu.memref_slice %arg4[%add3A_471, %dma_wait3A_477] : memref<204800x128xf32, #tpu.memory_space<hbm>> -> memref<128x128xf32, #tpu.memory_space<hbm>>
      %dma_wait3A_479 = arith.constant 0 : i32
      %dma_wait3A_480 = tpu.memref_slice %arg4[%add3A_471, %dma_wait3A_479] : memref<204800x128xf32, #tpu.memory_space<hbm>> -> memref<128x128xf32, #tpu.memory_space<hbm>>
      %dma_wait3A_481 = arith.constant 0 : i32
      %dma_wait3A_482 = arith.constant 0 : i32
      %dma_wait3A_483 = tpu.memref_slice %arg6[%dma_wait3A_472, %dma_wait3A_481, %dma_wait3A_482] : memref<5x128x128xf32, #tpu.memory_space<vmem>> -> memref<1x128x128xf32, #tpu.memory_space<vmem>>
      %dma_wait3A_484 = tpu.memref_squeeze %dma_wait3A_483 : memref<1x128x128xf32, #tpu.memory_space<vmem>> -> memref<128x128xf32, #tpu.memory_space<vmem>>
      tpu.wait_dma2 semaphore(%arg15 : memref<!tpu.dma_semaphore, #tpu.memory_space<semaphore_mem>>) src(%dma_wait3A_484 : memref<128x128xf32, #tpu.memory_space<vmem>>) dst(%dma_wait3A_480 : memref<128x128xf32, #tpu.memory_space<hbm>>)
      %add3A_485 = arith.constant 5 : i32
      %add3A_486 = arith.addi %add3A_466, %add3A_485 : i32
      %sub3A_487 = arith.constant 1 : i32
      %sub3A_488 = arith.subi %add3A_486, %sub3A_487 : i32
      %dma_start3A_489 = arith.constant 3 : i32
      %dma_start3A_490 = arith.constant 0 : i32
      %dma_start3A_491 = arith.constant 0 : i32
      %dma_start3A_492 = tpu.memref_slice %arg6[%dma_start3A_489, %dma_start3A_490, %dma_start3A_491] : memref<5x128x128xf32, #tpu.memory_space<vmem>> -> memref<1x128x128xf32, #tpu.memory_space<vmem>>
      %dma_start3A_493 = tpu.memref_squeeze %dma_start3A_492 : memref<1x128x128xf32, #tpu.memory_space<vmem>> -> memref<128x128xf32, #tpu.memory_space<vmem>>
      %dma_start3A_494 = arith.constant 0 : i32
      %dma_start3A_495 = tpu.memref_slice %arg5[%sub3A_488, %dma_start3A_494] : memref<50x128xi32, #tpu.memory_space<vmem>> -> memref<1x128xi32, #tpu.memory_space<vmem>>
      %dma_start3A_496 = tpu.memref_squeeze %dma_start3A_495 : memref<1x128xi32, #tpu.memory_space<vmem>> -> memref<128xi32, #tpu.memory_space<vmem>>
      %dma_start3A_497 = arith.constant 0 : i32
      %dma_start3A_498 = arith.constant 0 : i32
      %dma_start3A_499 = tpu.memref_slice %arg2[%dma_start3A_497, %dma_start3A_498] : memref<100000x128xf32, #tpu.memory_space<hbm>> -> memref<100000x128xf32, #tpu.memory_space<hbm>>
      tpu.enqueue_indirect_dma source(%dma_start3A_499 : memref<100000x128xf32, #tpu.memory_space<hbm>>) target(%dma_start3A_493 : memref<128x128xf32, #tpu.memory_space<vmem>>) offsets(%dma_start3A_496 : memref<128xi32, #tpu.memory_space<vmem>>) semaphore(%arg10 : memref<!tpu.dma_semaphore, #tpu.memory_space<semaphore_mem>>)
      %dma_wait3A_500 = arith.constant 4 : i32
      %dma_wait3A_501 = arith.constant 0 : i32
      %dma_wait3A_502 = arith.constant 0 : i32
      %dma_wait3A_503 = tpu.memref_slice %arg6[%dma_wait3A_500, %dma_wait3A_501, %dma_wait3A_502] : memref<5x128x128xf32, #tpu.memory_space<vmem>> -> memref<1x128x128xf32, #tpu.memory_space<vmem>>
      %dma_wait3A_504 = tpu.memref_squeeze %dma_wait3A_503 : memref<1x128x128xf32, #tpu.memory_space<vmem>> -> memref<128x128xf32, #tpu.memory_space<vmem>>
      %dma_wait3A_505 = arith.constant 0 : i32
      %dma_wait3A_506 = tpu.memref_slice %arg5[%add3A_466, %dma_wait3A_505] : memref<50x128xi32, #tpu.memory_space<vmem>> -> memref<1x128xi32, #tpu.memory_space<vmem>>
      %dma_wait3A_507 = tpu.memref_squeeze %dma_wait3A_506 : memref<1x128xi32, #tpu.memory_space<vmem>> -> memref<128xi32, #tpu.memory_space<vmem>>
      %dma_wait3A_508 = arith.constant 0 : i32
      %dma_wait3A_509 = arith.constant 0 : i32
      %dma_wait3A_510 = tpu.memref_slice %arg2[%dma_wait3A_508, %dma_wait3A_509] : memref<100000x128xf32, #tpu.memory_space<hbm>> -> memref<100000x128xf32, #tpu.memory_space<hbm>>
      tpu.wait_indirect_dma semaphore(%arg11 : memref<!tpu.dma_semaphore, #tpu.memory_space<semaphore_mem>>) src(%dma_wait3A_510 : memref<100000x128xf32, #tpu.memory_space<hbm>>) dst(%dma_wait3A_504 : memref<128x128xf32, #tpu.memory_space<vmem>>)
      %mul3A_511 = arith.constant 128 : i32
      %mul3A_512 = arith.muli %add3A_466, %mul3A_511 : i32
      %add3A_513 = arith.addi %mul3A_2, %mul3A_512 : i32
      %dma_start3A_514 = arith.constant 4 : i32
      %dma_start3A_515 = arith.constant 0 : i32
      %dma_start3A_516 = arith.constant 0 : i32
      %dma_start3A_517 = tpu.memref_slice %arg6[%dma_start3A_514, %dma_start3A_515, %dma_start3A_516] : memref<5x128x128xf32, #tpu.memory_space<vmem>> -> memref<1x128x128xf32, #tpu.memory_space<vmem>>
      %dma_start3A_518 = tpu.memref_squeeze %dma_start3A_517 : memref<1x128x128xf32, #tpu.memory_space<vmem>> -> memref<128x128xf32, #tpu.memory_space<vmem>>
      %dma_start3A_519 = arith.constant 0 : i32
      %dma_start3A_520 = tpu.memref_slice %arg4[%add3A_513, %dma_start3A_519] : memref<204800x128xf32, #tpu.memory_space<hbm>> -> memref<128x128xf32, #tpu.memory_space<hbm>>
      %dma_start3A_521 = arith.constant 0 : i32
      %dma_start3A_522 = tpu.memref_slice %arg4[%add3A_513, %dma_start3A_521] : memref<204800x128xf32, #tpu.memory_space<hbm>> -> memref<128x128xf32, #tpu.memory_space<hbm>>
      %dma_start3A_523 = arith.constant 0 : i32
      %dma_start3A_524 = arith.constant 0 : i32
      %dma_start3A_525 = tpu.memref_slice %arg6[%dma_start3A_514, %dma_start3A_523, %dma_start3A_524] : memref<5x128x128xf32, #tpu.memory_space<vmem>> -> memref<1x128x128xf32, #tpu.memory_space<vmem>>
      %dma_start3A_526 = tpu.memref_squeeze %dma_start3A_525 : memref<1x128x128xf32, #tpu.memory_space<vmem>> -> memref<128x128xf32, #tpu.memory_space<vmem>>
      tpu.enqueue_dma source(%dma_start3A_526 : memref<128x128xf32, #tpu.memory_space<vmem>>) target(%dma_start3A_522 : memref<128x128xf32, #tpu.memory_space<hbm>>) target_semaphore(%arg16 : memref<!tpu.dma_semaphore, #tpu.memory_space<semaphore_mem>>)
      %add3A_527 = arith.constant 4 : i32
      %add3A_528 = arith.addi %add3A_279, %add3A_527 : i32
      %sub3A_529 = arith.constant 1 : i32
      %sub3A_530 = arith.subi %add3A_528, %sub3A_529 : i32
      %mul3A_531 = arith.constant 128 : i32
      %mul3A_532 = arith.muli %sub3A_530, %mul3A_531 : i32
      %add3A_533 = arith.addi %mul3A_2, %mul3A_532 : i32
      %dma_wait3A_534 = arith.constant 4 : i32
      %dma_wait3A_535 = arith.constant 0 : i32
      %dma_wait3A_536 = arith.constant 0 : i32
      %dma_wait3A_537 = tpu.memref_slice %arg6[%dma_wait3A_534, %dma_wait3A_535, %dma_wait3A_536] : memref<5x128x128xf32, #tpu.memory_space<vmem>> -> memref<1x128x128xf32, #tpu.memory_space<vmem>>
      %dma_wait3A_538 = tpu.memref_squeeze %dma_wait3A_537 : memref<1x128x128xf32, #tpu.memory_space<vmem>> -> memref<128x128xf32, #tpu.memory_space<vmem>>
      %dma_wait3A_539 = arith.constant 0 : i32
      %dma_wait3A_540 = tpu.memref_slice %arg4[%add3A_533, %dma_wait3A_539] : memref<204800x128xf32, #tpu.memory_space<hbm>> -> memref<128x128xf32, #tpu.memory_space<hbm>>
      %dma_wait3A_541 = arith.constant 0 : i32
      %dma_wait3A_542 = tpu.memref_slice %arg4[%add3A_533, %dma_wait3A_541] : memref<204800x128xf32, #tpu.memory_space<hbm>> -> memref<128x128xf32, #tpu.memory_space<hbm>>
      %dma_wait3A_543 = arith.constant 0 : i32
      %dma_wait3A_544 = arith.constant 0 : i32
      %dma_wait3A_545 = tpu.memref_slice %arg6[%dma_wait3A_534, %dma_wait3A_543, %dma_wait3A_544] : memref<5x128x128xf32, #tpu.memory_space<vmem>> -> memref<1x128x128xf32, #tpu.memory_space<vmem>>
      %dma_wait3A_546 = tpu.memref_squeeze %dma_wait3A_545 : memref<1x128x128xf32, #tpu.memory_space<vmem>> -> memref<128x128xf32, #tpu.memory_space<vmem>>
      tpu.wait_dma2 semaphore(%arg16 : memref<!tpu.dma_semaphore, #tpu.memory_space<semaphore_mem>>) src(%dma_wait3A_546 : memref<128x128xf32, #tpu.memory_space<vmem>>) dst(%dma_wait3A_542 : memref<128x128xf32, #tpu.memory_space<hbm>>)
      %add3A_547 = arith.constant 5 : i32
      %add3A_548 = arith.addi %add3A_528, %add3A_547 : i32
      %sub3A_549 = arith.constant 1 : i32
      %sub3A_550 = arith.subi %add3A_548, %sub3A_549 : i32
      %dma_start3A_551 = arith.constant 4 : i32
      %dma_start3A_552 = arith.constant 0 : i32
      %dma_start3A_553 = arith.constant 0 : i32
      %dma_start3A_554 = tpu.memref_slice %arg6[%dma_start3A_551, %dma_start3A_552, %dma_start3A_553] : memref<5x128x128xf32, #tpu.memory_space<vmem>> -> memref<1x128x128xf32, #tpu.memory_space<vmem>>
      %dma_start3A_555 = tpu.memref_squeeze %dma_start3A_554 : memref<1x128x128xf32, #tpu.memory_space<vmem>> -> memref<128x128xf32, #tpu.memory_space<vmem>>
      %dma_start3A_556 = arith.constant 0 : i32
      %dma_start3A_557 = tpu.memref_slice %arg5[%sub3A_550, %dma_start3A_556] : memref<50x128xi32, #tpu.memory_space<vmem>> -> memref<1x128xi32, #tpu.memory_space<vmem>>
      %dma_start3A_558 = tpu.memref_squeeze %dma_start3A_557 : memref<1x128xi32, #tpu.memory_space<vmem>> -> memref<128xi32, #tpu.memory_space<vmem>>
      %dma_start3A_559 = arith.constant 0 : i32
      %dma_start3A_560 = arith.constant 0 : i32
      %dma_start3A_561 = tpu.memref_slice %arg2[%dma_start3A_559, %dma_start3A_560] : memref<100000x128xf32, #tpu.memory_space<hbm>> -> memref<100000x128xf32, #tpu.memory_space<hbm>>
      tpu.enqueue_indirect_dma source(%dma_start3A_561 : memref<100000x128xf32, #tpu.memory_space<hbm>>) target(%dma_start3A_555 : memref<128x128xf32, #tpu.memory_space<vmem>>) offsets(%dma_start3A_558 : memref<128xi32, #tpu.memory_space<vmem>>) semaphore(%arg11 : memref<!tpu.dma_semaphore, #tpu.memory_space<semaphore_mem>>)
      %dma_wait3A_562 = arith.constant 0 : i32
      %dma_wait3A_563 = arith.constant 0 : i32
      %dma_wait3A_564 = arith.constant 0 : i32
      %dma_wait3A_565 = tpu.memref_slice %arg6[%dma_wait3A_562, %dma_wait3A_563, %dma_wait3A_564] : memref<5x128x128xf32, #tpu.memory_space<vmem>> -> memref<1x128x128xf32, #tpu.memory_space<vmem>>
      %dma_wait3A_566 = tpu.memref_squeeze %dma_wait3A_565 : memref<1x128x128xf32, #tpu.memory_space<vmem>> -> memref<128x128xf32, #tpu.memory_space<vmem>>
      %dma_wait3A_567 = arith.constant 0 : i32
      %dma_wait3A_568 = tpu.memref_slice %arg5[%add3A_528, %dma_wait3A_567] : memref<50x128xi32, #tpu.memory_space<vmem>> -> memref<1x128xi32, #tpu.memory_space<vmem>>
      %dma_wait3A_569 = tpu.memref_squeeze %dma_wait3A_568 : memref<1x128xi32, #tpu.memory_space<vmem>> -> memref<128xi32, #tpu.memory_space<vmem>>
      %dma_wait3A_570 = arith.constant 0 : i32
      %dma_wait3A_571 = arith.constant 0 : i32
      %dma_wait3A_572 = tpu.memref_slice %arg2[%dma_wait3A_570, %dma_wait3A_571] : memref<100000x128xf32, #tpu.memory_space<hbm>> -> memref<100000x128xf32, #tpu.memory_space<hbm>>
      tpu.wait_indirect_dma semaphore(%arg7 : memref<!tpu.dma_semaphore, #tpu.memory_space<semaphore_mem>>) src(%dma_wait3A_572 : memref<100000x128xf32, #tpu.memory_space<hbm>>) dst(%dma_wait3A_566 : memref<128x128xf32, #tpu.memory_space<vmem>>)
      %mul3A_573 = arith.constant 128 : i32
      %mul3A_574 = arith.muli %add3A_528, %mul3A_573 : i32
      %add3A_575 = arith.addi %mul3A_2, %mul3A_574 : i32
      %dma_start3A_576 = arith.constant 0 : i32
      %dma_start3A_577 = arith.constant 0 : i32
      %dma_start3A_578 = arith.constant 0 : i32
      %dma_start3A_579 = tpu.memref_slice %arg6[%dma_start3A_576, %dma_start3A_577, %dma_start3A_578] : memref<5x128x128xf32, #tpu.memory_space<vmem>> -> memref<1x128x128xf32, #tpu.memory_space<vmem>>
      %dma_start3A_580 = tpu.memref_squeeze %dma_start3A_579 : memref<1x128x128xf32, #tpu.memory_space<vmem>> -> memref<128x128xf32, #tpu.memory_space<vmem>>
      %dma_start3A_581 = arith.constant 0 : i32
      %dma_start3A_582 = tpu.memref_slice %arg4[%add3A_575, %dma_start3A_581] : memref<204800x128xf32, #tpu.memory_space<hbm>> -> memref<128x128xf32, #tpu.memory_space<hbm>>
      %dma_start3A_583 = arith.constant 0 : i32
      %dma_start3A_584 = tpu.memref_slice %arg4[%add3A_575, %dma_start3A_583] : memref<204800x128xf32, #tpu.memory_space<hbm>> -> memref<128x128xf32, #tpu.memory_space<hbm>>
      %dma_start3A_585 = arith.constant 0 : i32
      %dma_start3A_586 = arith.constant 0 : i32
      %dma_start3A_587 = tpu.memref_slice %arg6[%dma_start3A_576, %dma_start3A_585, %dma_start3A_586] : memref<5x128x128xf32, #tpu.memory_space<vmem>> -> memref<1x128x128xf32, #tpu.memory_space<vmem>>
      %dma_start3A_588 = tpu.memref_squeeze %dma_start3A_587 : memref<1x128x128xf32, #tpu.memory_space<vmem>> -> memref<128x128xf32, #tpu.memory_space<vmem>>
      tpu.enqueue_dma source(%dma_start3A_588 : memref<128x128xf32, #tpu.memory_space<vmem>>) target(%dma_start3A_584 : memref<128x128xf32, #tpu.memory_space<hbm>>) target_semaphore(%arg12 : memref<!tpu.dma_semaphore, #tpu.memory_space<semaphore_mem>>)
    }
    %scan3A_91 = arith.constant 9 : i32
    %dma_wait3A_92 = arith.constant 46 : i32
    %dma_wait3A_93 = arith.constant 1 : i32
    %dma_wait3A_94 = arith.constant 0 : i32
    %dma_wait3A_95 = arith.constant 0 : i32
    %dma_wait3A_96 = tpu.memref_slice %arg6[%dma_wait3A_93, %dma_wait3A_94, %dma_wait3A_95] : memref<5x128x128xf32, #tpu.memory_space<vmem>> -> memref<1x128x128xf32, #tpu.memory_space<vmem>>
    %dma_wait3A_97 = tpu.memref_squeeze %dma_wait3A_96 : memref<1x128x128xf32, #tpu.memory_space<vmem>> -> memref<128x128xf32, #tpu.memory_space<vmem>>
    %dma_wait3A_98 = arith.constant 0 : i32
    %dma_wait3A_99 = tpu.memref_slice %arg5[%dma_wait3A_92, %dma_wait3A_98] : memref<50x128xi32, #tpu.memory_space<vmem>> -> memref<1x128xi32, #tpu.memory_space<vmem>>
    %dma_wait3A_100 = tpu.memref_squeeze %dma_wait3A_99 : memref<1x128xi32, #tpu.memory_space<vmem>> -> memref<128xi32, #tpu.memory_space<vmem>>
    %dma_wait3A_101 = arith.constant 0 : i32
    %dma_wait3A_102 = arith.constant 0 : i32
    %dma_wait3A_103 = tpu.memref_slice %arg2[%dma_wait3A_101, %dma_wait3A_102] : memref<100000x128xf32, #tpu.memory_space<hbm>> -> memref<100000x128xf32, #tpu.memory_space<hbm>>
    tpu.wait_indirect_dma semaphore(%arg8 : memref<!tpu.dma_semaphore, #tpu.memory_space<semaphore_mem>>) src(%dma_wait3A_103 : memref<100000x128xf32, #tpu.memory_space<hbm>>) dst(%dma_wait3A_97 : memref<128x128xf32, #tpu.memory_space<vmem>>)
    %add3A_104 = arith.constant 5888 : i32
    %add3A_105 = arith.addi %mul3A_2, %add3A_104 : i32
    %dma_start3A_106 = arith.constant 1 : i32
    %dma_start3A_107 = arith.constant 0 : i32
    %dma_start3A_108 = arith.constant 0 : i32
    %dma_start3A_109 = tpu.memref_slice %arg6[%dma_start3A_106, %dma_start3A_107, %dma_start3A_108] : memref<5x128x128xf32, #tpu.memory_space<vmem>> -> memref<1x128x128xf32, #tpu.memory_space<vmem>>
    %dma_start3A_110 = tpu.memref_squeeze %dma_start3A_109 : memref<1x128x128xf32, #tpu.memory_space<vmem>> -> memref<128x128xf32, #tpu.memory_space<vmem>>
    %dma_start3A_111 = arith.constant 0 : i32
    %dma_start3A_112 = tpu.memref_slice %arg4[%add3A_105, %dma_start3A_111] : memref<204800x128xf32, #tpu.memory_space<hbm>> -> memref<128x128xf32, #tpu.memory_space<hbm>>
    %dma_start3A_113 = arith.constant 0 : i32
    %dma_start3A_114 = tpu.memref_slice %arg4[%add3A_105, %dma_start3A_113] : memref<204800x128xf32, #tpu.memory_space<hbm>> -> memref<128x128xf32, #tpu.memory_space<hbm>>
    %dma_start3A_115 = arith.constant 0 : i32
    %dma_start3A_116 = arith.constant 0 : i32
    %dma_start3A_117 = tpu.memref_slice %arg6[%dma_start3A_106, %dma_start3A_115, %dma_start3A_116] : memref<5x128x128xf32, #tpu.memory_space<vmem>> -> memref<1x128x128xf32, #tpu.memory_space<vmem>>
    %dma_start3A_118 = tpu.memref_squeeze %dma_start3A_117 : memref<1x128x128xf32, #tpu.memory_space<vmem>> -> memref<128x128xf32, #tpu.memory_space<vmem>>
    tpu.enqueue_dma source(%dma_start3A_118 : memref<128x128xf32, #tpu.memory_space<vmem>>) target(%dma_start3A_114 : memref<128x128xf32, #tpu.memory_space<hbm>>) target_semaphore(%arg13 : memref<!tpu.dma_semaphore, #tpu.memory_space<semaphore_mem>>)
    %dma_wait3A_119 = arith.constant 47 : i32
    %dma_wait3A_120 = arith.constant 2 : i32
    %dma_wait3A_121 = arith.constant 0 : i32
    %dma_wait3A_122 = arith.constant 0 : i32
    %dma_wait3A_123 = tpu.memref_slice %arg6[%dma_wait3A_120, %dma_wait3A_121, %dma_wait3A_122] : memref<5x128x128xf32, #tpu.memory_space<vmem>> -> memref<1x128x128xf32, #tpu.memory_space<vmem>>
    %dma_wait3A_124 = tpu.memref_squeeze %dma_wait3A_123 : memref<1x128x128xf32, #tpu.memory_space<vmem>> -> memref<128x128xf32, #tpu.memory_space<vmem>>
    %dma_wait3A_125 = arith.constant 0 : i32
    %dma_wait3A_126 = tpu.memref_slice %arg5[%dma_wait3A_119, %dma_wait3A_125] : memref<50x128xi32, #tpu.memory_space<vmem>> -> memref<1x128xi32, #tpu.memory_space<vmem>>
    %dma_wait3A_127 = tpu.memref_squeeze %dma_wait3A_126 : memref<1x128xi32, #tpu.memory_space<vmem>> -> memref<128xi32, #tpu.memory_space<vmem>>
    %dma_wait3A_128 = arith.constant 0 : i32
    %dma_wait3A_129 = arith.constant 0 : i32
    %dma_wait3A_130 = tpu.memref_slice %arg2[%dma_wait3A_128, %dma_wait3A_129] : memref<100000x128xf32, #tpu.memory_space<hbm>> -> memref<100000x128xf32, #tpu.memory_space<hbm>>
    tpu.wait_indirect_dma semaphore(%arg9 : memref<!tpu.dma_semaphore, #tpu.memory_space<semaphore_mem>>) src(%dma_wait3A_130 : memref<100000x128xf32, #tpu.memory_space<hbm>>) dst(%dma_wait3A_124 : memref<128x128xf32, #tpu.memory_space<vmem>>)
    %add3A_131 = arith.constant 6016 : i32
    %add3A_132 = arith.addi %mul3A_2, %add3A_131 : i32
    %dma_start3A_133 = arith.constant 2 : i32
    %dma_start3A_134 = arith.constant 0 : i32
    %dma_start3A_135 = arith.constant 0 : i32
    %dma_start3A_136 = tpu.memref_slice %arg6[%dma_start3A_133, %dma_start3A_134, %dma_start3A_135] : memref<5x128x128xf32, #tpu.memory_space<vmem>> -> memref<1x128x128xf32, #tpu.memory_space<vmem>>
    %dma_start3A_137 = tpu.memref_squeeze %dma_start3A_136 : memref<1x128x128xf32, #tpu.memory_space<vmem>> -> memref<128x128xf32, #tpu.memory_space<vmem>>
    %dma_start3A_138 = arith.constant 0 : i32
    %dma_start3A_139 = tpu.memref_slice %arg4[%add3A_132, %dma_start3A_138] : memref<204800x128xf32, #tpu.memory_space<hbm>> -> memref<128x128xf32, #tpu.memory_space<hbm>>
    %dma_start3A_140 = arith.constant 0 : i32
    %dma_start3A_141 = tpu.memref_slice %arg4[%add3A_132, %dma_start3A_140] : memref<204800x128xf32, #tpu.memory_space<hbm>> -> memref<128x128xf32, #tpu.memory_space<hbm>>
    %dma_start3A_142 = arith.constant 0 : i32
    %dma_start3A_143 = arith.constant 0 : i32
    %dma_start3A_144 = tpu.memref_slice %arg6[%dma_start3A_133, %dma_start3A_142, %dma_start3A_143] : memref<5x128x128xf32, #tpu.memory_space<vmem>> -> memref<1x128x128xf32, #tpu.memory_space<vmem>>
    %dma_start3A_145 = tpu.memref_squeeze %dma_start3A_144 : memref<1x128x128xf32, #tpu.memory_space<vmem>> -> memref<128x128xf32, #tpu.memory_space<vmem>>
    tpu.enqueue_dma source(%dma_start3A_145 : memref<128x128xf32, #tpu.memory_space<vmem>>) target(%dma_start3A_141 : memref<128x128xf32, #tpu.memory_space<hbm>>) target_semaphore(%arg14 : memref<!tpu.dma_semaphore, #tpu.memory_space<semaphore_mem>>)
    %dma_wait3A_146 = arith.constant 48 : i32
    %dma_wait3A_147 = arith.constant 3 : i32
    %dma_wait3A_148 = arith.constant 0 : i32
    %dma_wait3A_149 = arith.constant 0 : i32
    %dma_wait3A_150 = tpu.memref_slice %arg6[%dma_wait3A_147, %dma_wait3A_148, %dma_wait3A_149] : memref<5x128x128xf32, #tpu.memory_space<vmem>> -> memref<1x128x128xf32, #tpu.memory_space<vmem>>
    %dma_wait3A_151 = tpu.memref_squeeze %dma_wait3A_150 : memref<1x128x128xf32, #tpu.memory_space<vmem>> -> memref<128x128xf32, #tpu.memory_space<vmem>>
    %dma_wait3A_152 = arith.constant 0 : i32
    %dma_wait3A_153 = tpu.memref_slice %arg5[%dma_wait3A_146, %dma_wait3A_152] : memref<50x128xi32, #tpu.memory_space<vmem>> -> memref<1x128xi32, #tpu.memory_space<vmem>>
    %dma_wait3A_154 = tpu.memref_squeeze %dma_wait3A_153 : memref<1x128xi32, #tpu.memory_space<vmem>> -> memref<128xi32, #tpu.memory_space<vmem>>
    %dma_wait3A_155 = arith.constant 0 : i32
    %dma_wait3A_156 = arith.constant 0 : i32
    %dma_wait3A_157 = tpu.memref_slice %arg2[%dma_wait3A_155, %dma_wait3A_156] : memref<100000x128xf32, #tpu.memory_space<hbm>> -> memref<100000x128xf32, #tpu.memory_space<hbm>>
    tpu.wait_indirect_dma semaphore(%arg10 : memref<!tpu.dma_semaphore, #tpu.memory_space<semaphore_mem>>) src(%dma_wait3A_157 : memref<100000x128xf32, #tpu.memory_space<hbm>>) dst(%dma_wait3A_151 : memref<128x128xf32, #tpu.memory_space<vmem>>)
    %add3A_158 = arith.constant 6144 : i32
    %add3A_159 = arith.addi %mul3A_2, %add3A_158 : i32
    %dma_start3A_160 = arith.constant 3 : i32
    %dma_start3A_161 = arith.constant 0 : i32
    %dma_start3A_162 = arith.constant 0 : i32
    %dma_start3A_163 = tpu.memref_slice %arg6[%dma_start3A_160, %dma_start3A_161, %dma_start3A_162] : memref<5x128x128xf32, #tpu.memory_space<vmem>> -> memref<1x128x128xf32, #tpu.memory_space<vmem>>
    %dma_start3A_164 = tpu.memref_squeeze %dma_start3A_163 : memref<1x128x128xf32, #tpu.memory_space<vmem>> -> memref<128x128xf32, #tpu.memory_space<vmem>>
    %dma_start3A_165 = arith.constant 0 : i32
    %dma_start3A_166 = tpu.memref_slice %arg4[%add3A_159, %dma_start3A_165] : memref<204800x128xf32, #tpu.memory_space<hbm>> -> memref<128x128xf32, #tpu.memory_space<hbm>>
    %dma_start3A_167 = arith.constant 0 : i32
    %dma_start3A_168 = tpu.memref_slice %arg4[%add3A_159, %dma_start3A_167] : memref<204800x128xf32, #tpu.memory_space<hbm>> -> memref<128x128xf32, #tpu.memory_space<hbm>>
    %dma_start3A_169 = arith.constant 0 : i32
    %dma_start3A_170 = arith.constant 0 : i32
    %dma_start3A_171 = tpu.memref_slice %arg6[%dma_start3A_160, %dma_start3A_169, %dma_start3A_170] : memref<5x128x128xf32, #tpu.memory_space<vmem>> -> memref<1x128x128xf32, #tpu.memory_space<vmem>>
    %dma_start3A_172 = tpu.memref_squeeze %dma_start3A_171 : memref<1x128x128xf32, #tpu.memory_space<vmem>> -> memref<128x128xf32, #tpu.memory_space<vmem>>
    tpu.enqueue_dma source(%dma_start3A_172 : memref<128x128xf32, #tpu.memory_space<vmem>>) target(%dma_start3A_168 : memref<128x128xf32, #tpu.memory_space<hbm>>) target_semaphore(%arg15 : memref<!tpu.dma_semaphore, #tpu.memory_space<semaphore_mem>>)
    %dma_wait3A_173 = arith.constant 49 : i32
    %dma_wait3A_174 = arith.constant 4 : i32
    %dma_wait3A_175 = arith.constant 0 : i32
    %dma_wait3A_176 = arith.constant 0 : i32
    %dma_wait3A_177 = tpu.memref_slice %arg6[%dma_wait3A_174, %dma_wait3A_175, %dma_wait3A_176] : memref<5x128x128xf32, #tpu.memory_space<vmem>> -> memref<1x128x128xf32, #tpu.memory_space<vmem>>
    %dma_wait3A_178 = tpu.memref_squeeze %dma_wait3A_177 : memref<1x128x128xf32, #tpu.memory_space<vmem>> -> memref<128x128xf32, #tpu.memory_space<vmem>>
    %dma_wait3A_179 = arith.constant 0 : i32
    %dma_wait3A_180 = tpu.memref_slice %arg5[%dma_wait3A_173, %dma_wait3A_179] : memref<50x128xi32, #tpu.memory_space<vmem>> -> memref<1x128xi32, #tpu.memory_space<vmem>>
    %dma_wait3A_181 = tpu.memref_squeeze %dma_wait3A_180 : memref<1x128xi32, #tpu.memory_space<vmem>> -> memref<128xi32, #tpu.memory_space<vmem>>
    %dma_wait3A_182 = arith.constant 0 : i32
    %dma_wait3A_183 = arith.constant 0 : i32
    %dma_wait3A_184 = tpu.memref_slice %arg2[%dma_wait3A_182, %dma_wait3A_183] : memref<100000x128xf32, #tpu.memory_space<hbm>> -> memref<100000x128xf32, #tpu.memory_space<hbm>>
    tpu.wait_indirect_dma semaphore(%arg11 : memref<!tpu.dma_semaphore, #tpu.memory_space<semaphore_mem>>) src(%dma_wait3A_184 : memref<100000x128xf32, #tpu.memory_space<hbm>>) dst(%dma_wait3A_178 : memref<128x128xf32, #tpu.memory_space<vmem>>)
    %add3A_185 = arith.constant 6272 : i32
    %add3A_186 = arith.addi %mul3A_2, %add3A_185 : i32
    %dma_start3A_187 = arith.constant 4 : i32
    %dma_start3A_188 = arith.constant 0 : i32
    %dma_start3A_189 = arith.constant 0 : i32
    %dma_start3A_190 = tpu.memref_slice %arg6[%dma_start3A_187, %dma_start3A_188, %dma_start3A_189] : memref<5x128x128xf32, #tpu.memory_space<vmem>> -> memref<1x128x128xf32, #tpu.memory_space<vmem>>
    %dma_start3A_191 = tpu.memref_squeeze %dma_start3A_190 : memref<1x128x128xf32, #tpu.memory_space<vmem>> -> memref<128x128xf32, #tpu.memory_space<vmem>>
    %dma_start3A_192 = arith.constant 0 : i32
    %dma_start3A_193 = tpu.memref_slice %arg4[%add3A_186, %dma_start3A_192] : memref<204800x128xf32, #tpu.memory_space<hbm>> -> memref<128x128xf32, #tpu.memory_space<hbm>>
    %dma_start3A_194 = arith.constant 0 : i32
    %dma_start3A_195 = tpu.memref_slice %arg4[%add3A_186, %dma_start3A_194] : memref<204800x128xf32, #tpu.memory_space<hbm>> -> memref<128x128xf32, #tpu.memory_space<hbm>>
    %dma_start3A_196 = arith.constant 0 : i32
    %dma_start3A_197 = arith.constant 0 : i32
    %dma_start3A_198 = tpu.memref_slice %arg6[%dma_start3A_187, %dma_start3A_196, %dma_start3A_197] : memref<5x128x128xf32, #tpu.memory_space<vmem>> -> memref<1x128x128xf32, #tpu.memory_space<vmem>>
    %dma_start3A_199 = tpu.memref_squeeze %dma_start3A_198 : memref<1x128x128xf32, #tpu.memory_space<vmem>> -> memref<128x128xf32, #tpu.memory_space<vmem>>
    tpu.enqueue_dma source(%dma_start3A_199 : memref<128x128xf32, #tpu.memory_space<vmem>>) target(%dma_start3A_195 : memref<128x128xf32, #tpu.memory_space<hbm>>) target_semaphore(%arg16 : memref<!tpu.dma_semaphore, #tpu.memory_space<semaphore_mem>>)
    %add3A_200 = arith.constant 5760 : i32
    %add3A_201 = arith.addi %mul3A_2, %add3A_200 : i32
    %dma_wait3A_202 = arith.constant 0 : i32
    %dma_wait3A_203 = arith.constant 0 : i32
    %dma_wait3A_204 = arith.constant 0 : i32
    %dma_wait3A_205 = tpu.memref_slice %arg6[%dma_wait3A_202, %dma_wait3A_203, %dma_wait3A_204] : memref<5x128x128xf32, #tpu.memory_space<vmem>> -> memref<1x128x128xf32, #tpu.memory_space<vmem>>
    %dma_wait3A_206 = tpu.memref_squeeze %dma_wait3A_205 : memref<1x128x128xf32, #tpu.memory_space<vmem>> -> memref<128x128xf32, #tpu.memory_space<vmem>>
    %dma_wait3A_207 = arith.constant 0 : i32
    %dma_wait3A_208 = tpu.memref_slice %arg4[%add3A_201, %dma_wait3A_207] : memref<204800x128xf32, #tpu.memory_space<hbm>> -> memref<128x128xf32, #tpu.memory_space<hbm>>
    %dma_wait3A_209 = arith.constant 0 : i32
    %dma_wait3A_210 = tpu.memref_slice %arg4[%add3A_201, %dma_wait3A_209] : memref<204800x128xf32, #tpu.memory_space<hbm>> -> memref<128x128xf32, #tpu.memory_space<hbm>>
    %dma_wait3A_211 = arith.constant 0 : i32
    %dma_wait3A_212 = arith.constant 0 : i32
    %dma_wait3A_213 = tpu.memref_slice %arg6[%dma_wait3A_202, %dma_wait3A_211, %dma_wait3A_212] : memref<5x128x128xf32, #tpu.memory_space<vmem>> -> memref<1x128x128xf32, #tpu.memory_space<vmem>>
    %dma_wait3A_214 = tpu.memref_squeeze %dma_wait3A_213 : memref<1x128x128xf32, #tpu.memory_space<vmem>> -> memref<128x128xf32, #tpu.memory_space<vmem>>
    tpu.wait_dma2 semaphore(%arg12 : memref<!tpu.dma_semaphore, #tpu.memory_space<semaphore_mem>>) src(%dma_wait3A_214 : memref<128x128xf32, #tpu.memory_space<vmem>>) dst(%dma_wait3A_210 : memref<128x128xf32, #tpu.memory_space<hbm>>)
    %add3A_215 = arith.constant 5888 : i32
    %add3A_216 = arith.addi %mul3A_2, %add3A_215 : i32
    %dma_wait3A_217 = arith.constant 1 : i32
    %dma_wait3A_218 = arith.constant 0 : i32
    %dma_wait3A_219 = arith.constant 0 : i32
    %dma_wait3A_220 = tpu.memref_slice %arg6[%dma_wait3A_217, %dma_wait3A_218, %dma_wait3A_219] : memref<5x128x128xf32, #tpu.memory_space<vmem>> -> memref<1x128x128xf32, #tpu.memory_space<vmem>>
    %dma_wait3A_221 = tpu.memref_squeeze %dma_wait3A_220 : memref<1x128x128xf32, #tpu.memory_space<vmem>> -> memref<128x128xf32, #tpu.memory_space<vmem>>
    %dma_wait3A_222 = arith.constant 0 : i32
    %dma_wait3A_223 = tpu.memref_slice %arg4[%add3A_216, %dma_wait3A_222] : memref<204800x128xf32, #tpu.memory_space<hbm>> -> memref<128x128xf32, #tpu.memory_space<hbm>>
    %dma_wait3A_224 = arith.constant 0 : i32
    %dma_wait3A_225 = tpu.memref_slice %arg4[%add3A_216, %dma_wait3A_224] : memref<204800x128xf32, #tpu.memory_space<hbm>> -> memref<128x128xf32, #tpu.memory_space<hbm>>
    %dma_wait3A_226 = arith.constant 0 : i32
    %dma_wait3A_227 = arith.constant 0 : i32
    %dma_wait3A_228 = tpu.memref_slice %arg6[%dma_wait3A_217, %dma_wait3A_226, %dma_wait3A_227] : memref<5x128x128xf32, #tpu.memory_space<vmem>> -> memref<1x128x128xf32, #tpu.memory_space<vmem>>
    %dma_wait3A_229 = tpu.memref_squeeze %dma_wait3A_228 : memref<1x128x128xf32, #tpu.memory_space<vmem>> -> memref<128x128xf32, #tpu.memory_space<vmem>>
    tpu.wait_dma2 semaphore(%arg13 : memref<!tpu.dma_semaphore, #tpu.memory_space<semaphore_mem>>) src(%dma_wait3A_229 : memref<128x128xf32, #tpu.memory_space<vmem>>) dst(%dma_wait3A_225 : memref<128x128xf32, #tpu.memory_space<hbm>>)
    %add3A_230 = arith.constant 6016 : i32
    %add3A_231 = arith.addi %mul3A_2, %add3A_230 : i32
    %dma_wait3A_232 = arith.constant 2 : i32
    %dma_wait3A_233 = arith.constant 0 : i32
    %dma_wait3A_234 = arith.constant 0 : i32
    %dma_wait3A_235 = tpu.memref_slice %arg6[%dma_wait3A_232, %dma_wait3A_233, %dma_wait3A_234] : memref<5x128x128xf32, #tpu.memory_space<vmem>> -> memref<1x128x128xf32, #tpu.memory_space<vmem>>
    %dma_wait3A_236 = tpu.memref_squeeze %dma_wait3A_235 : memref<1x128x128xf32, #tpu.memory_space<vmem>> -> memref<128x128xf32, #tpu.memory_space<vmem>>
    %dma_wait3A_237 = arith.constant 0 : i32
    %dma_wait3A_238 = tpu.memref_slice %arg4[%add3A_231, %dma_wait3A_237] : memref<204800x128xf32, #tpu.memory_space<hbm>> -> memref<128x128xf32, #tpu.memory_space<hbm>>
    %dma_wait3A_239 = arith.constant 0 : i32
    %dma_wait3A_240 = tpu.memref_slice %arg4[%add3A_231, %dma_wait3A_239] : memref<204800x128xf32, #tpu.memory_space<hbm>> -> memref<128x128xf32, #tpu.memory_space<hbm>>
    %dma_wait3A_241 = arith.constant 0 : i32
    %dma_wait3A_242 = arith.constant 0 : i32
    %dma_wait3A_243 = tpu.memref_slice %arg6[%dma_wait3A_232, %dma_wait3A_241, %dma_wait3A_242] : memref<5x128x128xf32, #tpu.memory_space<vmem>> -> memref<1x128x128xf32, #tpu.memory_space<vmem>>
    %dma_wait3A_244 = tpu.memref_squeeze %dma_wait3A_243 : memref<1x128x128xf32, #tpu.memory_space<vmem>> -> memref<128x128xf32, #tpu.memory_space<vmem>>
    tpu.wait_dma2 semaphore(%arg14 : memref<!tpu.dma_semaphore, #tpu.memory_space<semaphore_mem>>) src(%dma_wait3A_244 : memref<128x128xf32, #tpu.memory_space<vmem>>) dst(%dma_wait3A_240 : memref<128x128xf32, #tpu.memory_space<hbm>>)
    %add3A_245 = arith.constant 6144 : i32
    %add3A_246 = arith.addi %mul3A_2, %add3A_245 : i32
    %dma_wait3A_247 = arith.constant 3 : i32
    %dma_wait3A_248 = arith.constant 0 : i32
    %dma_wait3A_249 = arith.constant 0 : i32
    %dma_wait3A_250 = tpu.memref_slice %arg6[%dma_wait3A_247, %dma_wait3A_248, %dma_wait3A_249] : memref<5x128x128xf32, #tpu.memory_space<vmem>> -> memref<1x128x128xf32, #tpu.memory_space<vmem>>
    %dma_wait3A_251 = tpu.memref_squeeze %dma_wait3A_250 : memref<1x128x128xf32, #tpu.memory_space<vmem>> -> memref<128x128xf32, #tpu.memory_space<vmem>>
    %dma_wait3A_252 = arith.constant 0 : i32
    %dma_wait3A_253 = tpu.memref_slice %arg4[%add3A_246, %dma_wait3A_252] : memref<204800x128xf32, #tpu.memory_space<hbm>> -> memref<128x128xf32, #tpu.memory_space<hbm>>
    %dma_wait3A_254 = arith.constant 0 : i32
    %dma_wait3A_255 = tpu.memref_slice %arg4[%add3A_246, %dma_wait3A_254] : memref<204800x128xf32, #tpu.memory_space<hbm>> -> memref<128x128xf32, #tpu.memory_space<hbm>>
    %dma_wait3A_256 = arith.constant 0 : i32
    %dma_wait3A_257 = arith.constant 0 : i32
    %dma_wait3A_258 = tpu.memref_slice %arg6[%dma_wait3A_247, %dma_wait3A_256, %dma_wait3A_257] : memref<5x128x128xf32, #tpu.memory_space<vmem>> -> memref<1x128x128xf32, #tpu.memory_space<vmem>>
    %dma_wait3A_259 = tpu.memref_squeeze %dma_wait3A_258 : memref<1x128x128xf32, #tpu.memory_space<vmem>> -> memref<128x128xf32, #tpu.memory_space<vmem>>
    tpu.wait_dma2 semaphore(%arg15 : memref<!tpu.dma_semaphore, #tpu.memory_space<semaphore_mem>>) src(%dma_wait3A_259 : memref<128x128xf32, #tpu.memory_space<vmem>>) dst(%dma_wait3A_255 : memref<128x128xf32, #tpu.memory_space<hbm>>)
    %add3A_260 = arith.constant 6272 : i32
    %add3A_261 = arith.addi %mul3A_2, %add3A_260 : i32
    %dma_wait3A_262 = arith.constant 4 : i32
    %dma_wait3A_263 = arith.constant 0 : i32
    %dma_wait3A_264 = arith.constant 0 : i32
    %dma_wait3A_265 = tpu.memref_slice %arg6[%dma_wait3A_262, %dma_wait3A_263, %dma_wait3A_264] : memref<5x128x128xf32, #tpu.memory_space<vmem>> -> memref<1x128x128xf32, #tpu.memory_space<vmem>>
    %dma_wait3A_266 = tpu.memref_squeeze %dma_wait3A_265 : memref<1x128x128xf32, #tpu.memory_space<vmem>> -> memref<128x128xf32, #tpu.memory_space<vmem>>
    %dma_wait3A_267 = arith.constant 0 : i32
    %dma_wait3A_268 = tpu.memref_slice %arg4[%add3A_261, %dma_wait3A_267] : memref<204800x128xf32, #tpu.memory_space<hbm>> -> memref<128x128xf32, #tpu.memory_space<hbm>>
    %dma_wait3A_269 = arith.constant 0 : i32
    %dma_wait3A_270 = tpu.memref_slice %arg4[%add3A_261, %dma_wait3A_269] : memref<204800x128xf32, #tpu.memory_space<hbm>> -> memref<128x128xf32, #tpu.memory_space<hbm>>
    %dma_wait3A_271 = arith.constant 0 : i32
    %dma_wait3A_272 = arith.constant 0 : i32
    %dma_wait3A_273 = tpu.memref_slice %arg6[%dma_wait3A_262, %dma_wait3A_271, %dma_wait3A_272] : memref<5x128x128xf32, #tpu.memory_space<vmem>> -> memref<1x128x128xf32, #tpu.memory_space<vmem>>
    %dma_wait3A_274 = tpu.memref_squeeze %dma_wait3A_273 : memref<1x128x128xf32, #tpu.memory_space<vmem>> -> memref<128x128xf32, #tpu.memory_space<vmem>>
    tpu.wait_dma2 semaphore(%arg16 : memref<!tpu.dma_semaphore, #tpu.memory_space<semaphore_mem>>) src(%dma_wait3A_274 : memref<128x128xf32, #tpu.memory_space<vmem>>) dst(%dma_wait3A_270 : memref<128x128xf32, #tpu.memory_space<hbm>>)
    return
  }
}

module attributes {stable_mosaic.version = 14 : i64} {
  func.func @_fused_table_body(%arg0: i32, %arg1: memref<12288x128xf32, #tpu.memory_space<vmem>>, %arg2: memref<12288xi32, #tpu.memory_space<vmem>>, %arg3: memref<12288xi32, #tpu.memory_space<vmem>>, %arg4: memref<15x128xf32, #tpu.memory_space<vmem>>, %arg5: memref<11x128xf32, #tpu.memory_space<vmem>>, %arg6: memref<384x128xf32, #tpu.memory_space<vmem>>, %arg7: memref<1x128xf32, #tpu.memory_space<vmem>>, %arg8: memref<12288x128xf32, #tpu.memory_space<vmem>>) attributes {dimension_semantics = [#tpu.dimension_semantics<arbitrary>], iteration_bounds = array<i64: 9>, scalar_prefetch = 0 : i64, scratch_operands = 0 : i64, tpu.core_type = #tpu.core_type<tc>, window_params = [{transform_indices = @transform_0, window_bounds = array<i64: 12288, 128>}, {transform_indices = @transform_1, window_bounds = array<i64: 12288>}, {transform_indices = @transform_2, window_bounds = array<i64: 12288>}, {pipeline_mode = #tpu.pipeline_mode<synchronous>, transform_indices = @transform_3, window_bounds = array<i64: 15, 128>}, {pipeline_mode = #tpu.pipeline_mode<synchronous>, transform_indices = @transform_4, window_bounds = array<i64: 11, 128>}, {pipeline_mode = #tpu.pipeline_mode<synchronous>, transform_indices = @transform_5, window_bounds = array<i64: 384, 128>}, {pipeline_mode = #tpu.pipeline_mode<synchronous>, transform_indices = @transform_6, window_bounds = array<i64: 1, 128>}, {transform_indices = @transform_7, window_bounds = array<i64: 12288, 128>}]} {
    %get3A = arith.constant 0 : index
    %get3A_0 = arith.constant 0 : index
    %get3A_1 = vector.load %arg6[%get3A, %get3A_0] : memref<384x128xf32, #tpu.memory_space<vmem>>, vector<128x128xf32>
    %get3A_2 = arith.constant 128 : index
    %get3A_3 = arith.constant 0 : index
    %get3A_4 = vector.load %arg6[%get3A_2, %get3A_3] : memref<384x128xf32, #tpu.memory_space<vmem>>, vector<128x128xf32>
    %get3A_5 = arith.constant 256 : index
    %get3A_6 = arith.constant 0 : index
    %get3A_7 = vector.load %arg6[%get3A_5, %get3A_6] : memref<384x128xf32, #tpu.memory_space<vmem>>, vector<128x128xf32>
    %get3A_8 = arith.constant 0 : index
    %get3A_9 = arith.constant 0 : index
    %get3A_10 = vector.load %arg4[%get3A_8, %get3A_9] : memref<15x128xf32, #tpu.memory_space<vmem>>, vector<15x128xf32>
    %dot_general3A = arith.constant dense<0.000000e+00> : vector<15x128xf32>
    %dot_general3A_11 = tpu.matmul %get3A_10, %get3A_4, %dot_general3A {dimension_numbers = #tpu.dot_dimension_numbers<[1], [0], [0], [1], [0, 0, 1, 1], [], []>, transpose_lhs_hint = false} : vector<15x128xf32>, vector<128x128xf32>, vector<15x128xf32> -> vector<15x128xf32>
    %get3A_12 = arith.constant 0 : index
    %get3A_13 = arith.constant 0 : index
    %get3A_14 = vector.load %arg5[%get3A_12, %get3A_13] : memref<11x128xf32, #tpu.memory_space<vmem>>, vector<11x128xf32>
    %dot_general3A_15 = arith.constant dense<0.000000e+00> : vector<11x128xf32>
    %dot_general3A_16 = tpu.matmul %get3A_14, %get3A_7, %dot_general3A_15 {dimension_numbers = #tpu.dot_dimension_numbers<[1], [0], [0], [1], [0, 0, 1, 1], [], []>, transpose_lhs_hint = false} : vector<11x128xf32>, vector<128x128xf32>, vector<11x128xf32> -> vector<11x128xf32>
    %get3A_17 = arith.constant 0 : index
    %get3A_18 = arith.constant 0 : index
    %get3A_19 = vector.load %arg1[%get3A_17, %get3A_18] : memref<12288x128xf32, #tpu.memory_space<vmem>>, vector<12288x128xf32>
    %dot_general3A_20 = arith.constant dense<0.000000e+00> : vector<12288x128xf32>
    %dot_general3A_21 = tpu.matmul %get3A_19, %get3A_1, %dot_general3A_20 {dimension_numbers = #tpu.dot_dimension_numbers<[1], [0], [0], [1], [0, 0, 1, 1], [], []>, transpose_lhs_hint = false} : vector<12288x128xf32>, vector<128x128xf32>, vector<12288x128xf32> -> vector<12288x128xf32>
    %iota3A = tpu.iota {dimensions = array<i32: 1>} : vector<12288x15xi32>
    %iota3A_22 = tpu.iota {dimensions = array<i32: 1>} : vector<12288x11xi32>
    %get3A_23 = arith.constant 0 : index
    %get3A_24 = vector.load %arg2[%get3A_23] : memref<12288xi32, #tpu.memory_space<vmem>>, vector<12288xi32>
    %broadcast_in_dim3A = vector.shape_cast %get3A_24 : vector<12288xi32> to vector<12288x1xi32>
    %eq3A = vector.broadcast %broadcast_in_dim3A : vector<12288x1xi32> to vector<12288x15xi32>
    %eq3A_25 = arith.cmpi eq, %eq3A, %iota3A : vector<12288x15xi32>
    %convert_element_type3A = arith.extui %eq3A_25 : vector<12288x15xi1> to vector<12288x15xi32>
    %convert_element_type3A_26 = arith.sitofp %convert_element_type3A : vector<12288x15xi32> to vector<12288x15xf32>
    %get3A_27 = arith.constant 0 : index
    %get3A_28 = vector.load %arg3[%get3A_27] : memref<12288xi32, #tpu.memory_space<vmem>>, vector<12288xi32>
    %broadcast_in_dim3A_29 = vector.shape_cast %get3A_28 : vector<12288xi32> to vector<12288x1xi32>
    %eq3A_30 = vector.broadcast %broadcast_in_dim3A_29 : vector<12288x1xi32> to vector<12288x11xi32>
    %eq3A_31 = arith.cmpi eq, %eq3A_30, %iota3A_22 : vector<12288x11xi32>
    %convert_element_type3A_32 = arith.extui %eq3A_31 : vector<12288x11xi1> to vector<12288x11xi32>
    %convert_element_type3A_33 = arith.sitofp %convert_element_type3A_32 : vector<12288x11xi32> to vector<12288x11xf32>
    %dot_general3A_34 = arith.constant dense<0.000000e+00> : vector<12288x128xf32>
    %dot_general3A_35 = tpu.matmul %convert_element_type3A_26, %dot_general3A_11, %dot_general3A_34 {dimension_numbers = #tpu.dot_dimension_numbers<[1], [0], [0], [1], [0, 0, 1, 1], [], []>, transpose_lhs_hint = false} : vector<12288x15xf32>, vector<15x128xf32>, vector<12288x128xf32> -> vector<12288x128xf32>
    %add3A = arith.addf %dot_general3A_21, %dot_general3A_35 : vector<12288x128xf32>
    %dot_general3A_36 = arith.constant dense<0.000000e+00> : vector<12288x128xf32>
    %dot_general3A_37 = tpu.matmul %convert_element_type3A_33, %dot_general3A_16, %dot_general3A_36 {dimension_numbers = #tpu.dot_dimension_numbers<[1], [0], [0], [1], [0, 0, 1, 1], [], []>, transpose_lhs_hint = false} : vector<12288x11xf32>, vector<11x128xf32>, vector<12288x128xf32> -> vector<12288x128xf32>
    %add3A_38 = arith.addf %add3A, %dot_general3A_37 : vector<12288x128xf32>
    %get3A_39 = arith.constant 0 : index
    %get3A_40 = arith.constant 0 : index
    %get3A_41 = vector.load %arg7[%get3A_39, %get3A_40] : memref<1x128xf32, #tpu.memory_space<vmem>>, vector<1x128xf32>
    %add3A_42 = vector.broadcast %get3A_41 : vector<1x128xf32> to vector<12288x128xf32>
    %add3A_43 = arith.addf %add3A_38, %add3A_42 : vector<12288x128xf32>
    %swap3A = arith.constant 0 : index
    %swap3A_44 = arith.constant 0 : index
    %swap3A_45 = vector.load %arg8[%swap3A, %swap3A_44] : memref<12288x128xf32, #tpu.memory_space<vmem>>, vector<12288x128xf32>
    tpu.vector_store %arg8[%swap3A, %swap3A_44], %add3A_43 {strides = array<i32>} : memref<12288x128xf32, #tpu.memory_space<vmem>>, vector<12288x128xf32>,
    return
  }
  func.func @transform_0(%arg0: i32) -> (i32, i32) {
    %c0_i32 = arith.constant 0 : i32
    %c0_i32_0 = arith.constant 0 : i32
    return %arg0, %c0_i32 : i32, i32
  }
  func.func @transform_1(%arg0: i32) -> i32 {
    %c0_i32 = arith.constant 0 : i32
    return %arg0 : i32
  }
  func.func @transform_2(%arg0: i32) -> i32 {
    %c0_i32 = arith.constant 0 : i32
    return %arg0 : i32
  }
  func.func @transform_3(%arg0: i32) -> (i32, i32) {
    %c0_i32 = arith.constant 0 : i32
    %c0_i32_0 = arith.constant 0 : i32
    %c0_i32_1 = arith.constant 0 : i32
    return %c0_i32, %c0_i32_0 : i32, i32
  }
  func.func @transform_4(%arg0: i32) -> (i32, i32) {
    %c0_i32 = arith.constant 0 : i32
    %c0_i32_0 = arith.constant 0 : i32
    %c0_i32_1 = arith.constant 0 : i32
    return %c0_i32, %c0_i32_0 : i32, i32
  }
  func.func @transform_5(%arg0: i32) -> (i32, i32) {
    %c0_i32 = arith.constant 0 : i32
    %c0_i32_0 = arith.constant 0 : i32
    %c0_i32_1 = arith.constant 0 : i32
    return %c0_i32, %c0_i32_0 : i32, i32
  }
  func.func @transform_6(%arg0: i32) -> (i32, i32) {
    %c0_i32 = arith.constant 0 : i32
    %c0_i32_0 = arith.constant 0 : i32
    %c0_i32_1 = arith.constant 0 : i32
    return %c0_i32, %c0_i32_0 : i32, i32
  }
  func.func @transform_7(%arg0: i32) -> (i32, i32) {
    %c0_i32 = arith.constant 0 : i32
    %c0_i32_0 = arith.constant 0 : i32
    return %arg0, %c0_i32 : i32, i32
  }
}

</mosaic_0001>

<sc_bundles>
// kernel: kernel.4.cloned.1.call-start
scs
__scs_entry_jumppad:
0x0: {  	(pc) =	sbr.rel $0x88, $3  }
0x1: {  	(tag) =	ssettag $0x0;
	lr =	simm.s32 $0x1  }
0x2: {  	[smem:$0x3F99] =	sst lr;
	_ =	strace $0xD0000000  }
0x3: {  	_ = 	snop  }
0x4: {  	_ = 	snop  }
0x5: {  	_ = 	snop  }
0x6: {  	_ = 	snop  }
0x7: {  	_ = 	snop  }
__scs_overlays_trampoline_lowered:
0x8: {  	[smem:$0x3FA8] =	sst s0  }
0x9: {  	[smem:$0x3FA9] =	sst s1  }
0xa: {  	[smem:$0x3FAA] =	sst s2  }
0xb: {  	[smem:$0x3FAB] =	sst s3  }
0xc: {  	[smem:$0x3FAC] =	sst s4  }
0xd: {  	[smem:$0x3FAD] =	sst s5  }
0xe: {  	[smem:$0x3FAE] =	sst s6  }
0xf: {  	[smem:$0x3FAF] =	sst s7  }
0x10: {  	[smem:$0x3FB0] =	sst s8  }
0x11: {  	[smem:$0x3FB1] =	sst s9;
	s0 =	simm.s32 @!p0 $0x0  }
0x12: {  	s1 =	sld [smem:$0x3F97];
	s0 =	simm.s32 @p0 $0x1  }
0x13: {  	[smem:$0x3FB2] =	sst s0;
	s0 =	simm.s32 @!p1 $0x0  }
0x14: {  	s2 =	sld [smem:$0x3F96];
	s0 =	simm.s32 @p1 $0x1  }
0x15: {  	[smem:$0x3FB3] =	sst s0;
	s0 =	simm.s32 @!p2 $0x0  }
0x16: {  	s3 =	sld [smem:$0x3FDB];
	s0 =	simm.s32 @p2 $0x1  }
0x17: {  	s4 =	simm.s32 $0x1BF5;
	[smem:$0x3FB5] =	sst s0  }
0x18: {  	s0 =	sld [smem:$0x3F98];
	_ =	swait.ge [sflag:s4], $0x0  }
0x19: {  	s7 =	sld [smem:$0x3F99]  }
0x1a: {  	s8 =	sadd.s32 $0xFFFFE003, lr  }
0x1b: {  	s9 =	sadd.s32 $0xFFFFFEF7, lr;
	s5 =	simm.s32 $0xFFFFFFFF;
	p2 =	slt.u32 s8, $0xFFFFF086  }
0x1c: {  	p1 =	slt.u32 s9, $0xF7A;
	s5 =	simm.s32 @!p2 $0x0  }
0x1d: {  	s5 =	simm.s32 @p1 $0x1;
	p0 =	seq.s32 s7, s2  }
0x1e: {  	s7 =	smul.u32 @!p0 $0xF7A, s2;
	p2 =	seq.s32 @!p0 s5, $0x0  }
0x1f: {  	s9 =	smul.u32 $0xF7A, s1;
	s8 =	simm.s32 @!p0 $0x1BF5;
	p2 =	por !p2, p0  }
0x20: {  	[sflag:s8] =	ssyncset.s32 @!p0 $0xFFFFF086;
	s6 =	sadd.s32 @!p0 s3, s7;
	s7 =	simm.s32 @!p0 $0x108  }
0x21: {  	s3 =	sadd.s32 s3, s9;
	s6 =	sadd.s32 @!p0 $0x88, s6;
	s7 =	simm.s32 @p2 $0x1082  }
0x22: {  	[simem:s7], [sflag:s8] =	dma.local @!p0 [hbm:s6], $0xF7A  }
0x23: {  	s9 =	sor.u32 $0xD0000000, s2;
	s6 =	simm.s32 $0x108;
	_ =	swait.ge @!p0 [sflag:s8], $0x0  }
0x24: {  	s3 =	sadd.s32 $0x88, s3;
	s6 =	simm.s32 @!p1 $0x1082;
	[sflag:s4] =	ssyncset.s32 $0xFFFFF086  }
0x25: {  	[simem:s6], [sflag:s4] =	dma.local [hbm:s3], $0xF7A  }
0x26: {  	[smem:$0x3F99] =	sst s1;
	(tag) =	ssettag s2;
	_ =	strace s9  }
0x27: {  	s1 =	sld [smem:$0x3FA9]  }
0x28: {  	s2 =	sld [smem:$0x3FAA]  }
0x29: {  	s4 =	sld [smem:$0x3FAC]  }
0x2a: {  	p0 =	seq.s32 s5, $0x0;
	s5 =	sld [smem:$0x3FAD]  }
0x2b: {  	s6 =	sld [smem:$0x3FAE]  }
0x2c: {  	s7 =	sld [smem:$0x3FAF]  }
0x2d: {  	s3 =	simm.s32 $0x108;
	s8 =	sld [smem:$0x3FB0]  }
0x2e: {  	s3 =	simm.s32 @!p0 $0x1082;
	s9 =	sld [smem:$0x3FB1]  }
0x2f: {  	lr =	sadd.s32 s0, s3;
	s0 =	sld [smem:$0x3FA8]  }
0x30: {  	s3 =	sld [smem:$0x3FAB]  }
0x31: {  	[smem:$0x3FB4] =	sst s10  }
0x32: {  	s10 =	sld [smem:$0x3FB2];
	_ =	sdelay $0x3  }
0x33: {  	p0 =	seq.s32 s10, $0x1;
	s10 =	sld [smem:$0x3FB4];
	_ =	sdelay $0x3  }
0x34: {  	[smem:$0x3FB4] =	sst s10  }
0x35: {  	s10 =	sld [smem:$0x3FB3];
	_ =	sdelay $0x3  }
0x36: {  	p1 =	seq.s32 s10, $0x1;
	s10 =	sld [smem:$0x3FB4];
	_ =	sdelay $0x3  }
0x37: {  	[smem:$0x3FB4] =	sst s10  }
0x38: {  	s10 =	sld [smem:$0x3FB5]  }
0x39: {  	_ = 	snop;
	(pc) =	sbr.ind lr, $3  }
0x3a: {  	_ = 	snop  }
0x3b: {  	_ = 	snop  }
0x3c: {  	p2 =	seq.s32 s10, $0x1;
	s10 =	sld [smem:$0x3FB4]  }
0x3d: {  	_ =	shalt  }
0x3e: {  	_ =	shalt  }
0x3f: {  	_ =	shalt  }
0x40: {  	_ =	shalt  }
0x41: {  	_ =	shalt  }
0x42: {  	_ =	shalt  }
0x43: {  	_ =	shalt  }
0x44: {  	_ =	shalt  }
0x45: {  	_ =	shalt  }
0x46: {  	_ =	shalt  }
0x47: {  	_ =	shalt  }
0x48: {  	_ =	shalt  }
0x49: {  	_ =	shalt  }
0x4a: {  	_ =	shalt  }
0x4b: {  	_ =	shalt  }
0x4c: {  	_ =	shalt  }
0x4d: {  	_ =	shalt  }
0x4e: {  	_ =	shalt  }
0x4f: {  	_ =	shalt  }
0x50: {  	_ =	shalt  }
0x51: {  	_ =	shalt  }
0x52: {  	_ =	shalt  }
0x53: {  	_ =	shalt  }
0x54: {  	_ =	shalt  }
0x55: {  	_ =	shalt  }
0x56: {  	_ =	shalt  }
0x57: {  	_ =	shalt  }
0x58: {  	_ =	shalt  }
0x59: {  	_ =	shalt  }
0x5a: {  	_ =	shalt  }
0x5b: {  	_ =	shalt  }
0x5c: {  	_ =	shalt  }
0x5d: {  	_ =	shalt  }
0x5e: {  	_ =	shalt  }
0x5f: {  	_ =	shalt  }
0x60: {  	_ =	shalt  }
0x61: {  	_ =	shalt  }
0x62: {  	_ =	shalt  }
0x63: {  	_ =	shalt  }
0x64: {  	_ =	shalt  }
0x65: {  	_ =	shalt  }
0x66: {  	_ =	shalt  }
0x67: {  	_ =	shalt  }
0x68: {  	_ =	shalt  }
0x69: {  	_ =	shalt  }
0x6a: {  	_ =	shalt  }
0x6b: {  	_ =	shalt  }
0x6c: {  	_ =	shalt  }
0x6d: {  	_ =	shalt  }
0x6e: {  	_ =	shalt  }
0x6f: {  	_ =	shalt  }
0x70: {  	_ =	shalt  }
0x71: {  	_ =	shalt  }
0x72: {  	_ =	shalt  }
0x73: {  	_ =	shalt  }
0x74: {  	_ =	shalt  }
0x75: {  	_ =	shalt  }
0x76: {  	_ =	shalt  }
0x77: {  	_ =	shalt  }
0x78: {  	_ =	shalt  }
0x79: {  	_ =	shalt  }
0x7a: {  	_ =	shalt  }
0x7b: {  	_ =	shalt  }
0x7c: {  	_ =	shalt  }
0x7d: {  	_ =	shalt  }
0x7e: {  	_ =	shalt  }
0x7f: {  	_ =	shalt  }
0x80: {  	_ =	shalt  }
0x81: {  	_ =	shalt  }
0x82: {  	_ =	shalt  }
0x83: {  	_ =	shalt  }
0x84: {  	_ =	shalt  }
0x85: {  	_ =	shalt  }
0x86: {  	_ =	shalt  }
0x87: {  	_ =	shalt  }
.Lfunc_end0:
.L_simem_size_0:
called_computation_lowered:
.L_overlay_start_0:
0x88: {  	s2 =	sld [smem:$0x3FD9]  }
0x89: {  	s3 =	sld [smem:$0x3FFE];
	_ =	sdelay $0x1  }
0x8a: {  	s1 =	srdreg.scid  }
0x8b: {  	s0 =	sand.u32 $0x1, s1  }
0x8c: {  	s17 =	sshll.u32 s0, $0xA;
	s2 =	sadd.s32 s3, s2  }
0x8d: {  	s2 =	sadd.s32 s2, s17  }
0x8e: {  	[smem:$0x3FC0] =	sst s2  }
0x8f: {  	_ = 	snop  }
0x90: {  	s2 =	sld [smem:$0x3FD0];
	(tm) =	ssettm $0x1  }
0x91: {  	s18 =	sld [smem:$0x3FFB];
	_ =	sdelay $0x3  }
0x92: {  	_ =	strace s18  }
0x93: {  	s3 =	sld [smem:$0x3FFC];
	_ =	sdelay $0x3  }
0x94: {  	_ =	strace s3  }
0x95: {  	s3 =	sld [smem:$0x3FFD];
	_ =	sdelay $0x3  }
0x96: {  	_ =	strace s3  }
0x97: {  	_ =	strace $0x8FFFFFFF  }
0x98: {  	s19 =	sld [smem:$0x3FDB];
	_ =	sdelay $0x1  }
0x99: {  	s4 =	simm.s32 $_scs_section_size  }
0x9a: {  	s5 =	simm.s32 $_size__tile_overlayer_lowered;
	s6 =	simm.s32 $_tile_overlayer_lowered  }
0x9b: {  	s22 =	simm.s32 $0x1BFF;
	s21 =	sshll.u32 s6, $0x1;
	s3 =	sadd.s32 s4, s19  }
0x9c: {  	s7 =	simm.s32 $0x0;
	s20 =	sshll.u32 s5, $0x1;
	s5 =	sadd.s32 s21, s3  }
0x9d: {  	[timem:s7], [sflag:s22] =	dma.local [hbm:s5], s20  }
0x9e: {  	_ =	swait.ge [sflag:s22], s20  }
0x9f: {  	s4 =	ssub.s32 $0x0, s20;
	[sflag:s22] =	ssyncset.done $0x0  }
0xa0: {  	[sflag:s22] =	ssyncadd.s32 s4;
	_ =	sdelay $0x1  }
0xa1: {  	s23 =	simm.s32 $0x1B8B  }
0xa2: {  	_ =	swait.ge [sflag:s23], $0x1  }
0xa3: {  	[sflag:s23] =	ssyncset.done $0x0  }
0xa4: {  	s25 =	simm.s32 $0x1B8E;
	s24 =	sld [smem:$0x3FFE];
	[sflag:s23] =	ssyncadd.s32 $0xFFFFFFFF  }
0xa5: {  	s26 =	simm.s32 $execute0_lowered;
	[smem:$0x3FD2] =	sst s25  }
0xa6: {  	s5 =	sshll.u32 s26, $0x1;
	_ =	strace $0x80000046;
	[dreg:$0x1] =	wrdreg $0xFFFFFFFF  }
0xa7: {  	s28 =	simm.s32 $_size_execute0_lowered;
	s3 =	sadd.s32 s3, s5;
	[dreg:$0x0] =	wrdreg $0x0  }
0xa8: {  	s5 =	sshll.u32 s28, $0x1;
	[dreg:$0x2] =	wrdreg s3  }
0xa9: {  	[dreg:$0x3] =	wrdreg s5  }
0xaa: {  	[dreg:$0x4] =	wrdreg $0xC0  }
0xab: {  	_ =	task [dreg:s7], $0x5FFFF  }
0xac: {  	[dreg:$0x1] =	wrdreg $0xFFFFFFFF  }
0xad: {  	[dreg:$0x0] =	wrdreg $0x60  }
0xae: {  	[dreg:$0x2] =	wrdreg s24  }
0xaf: {  	[dreg:$0x3] =	wrdreg s2  }
0xb0: {  	[dreg:$0x4] =	wrdreg $0x9  }
0xb1: {  	_ =	task.clear_ibuf [dreg:s7], $0x5FFFF;
	_ =	strace $0x90000046  }
0xb2: {  	s29 =	simm.s32 $0x9;
	_ =	strace $0x80000048  }
0xb3: {  	_ =	swait.ge [sflag:s29], $0x1  }
0xb4: {  	[sflag:s29] =	ssyncadd.s32 $0xFFFFFFFF  }
0xb5: {  	_ =	strace $0x90000048  }
0xb6: {  	_ =	sfence  }
0xb7: {  	s30 =	sld [smem:$0x0];
	_ =	sdelay $0x2  }
0xb8: {  	s31 =	sshll.u32 s1, $0xD;
	s1 =	sshrl.u32 s1, $0x2  }
0xb9: {  	s3 =	sand.u32 $0x4000, s31;
	s1 =	sadd.s32 s1, s30  }
0xba: {  	s0 =	sor.u32 s3, s0;
	s1 =	sshll.u32 s1, $0x11  }
0xbb: {  	s0 =	sor.u32 s1, s0  }
0xbc: {  	s0 =	sadd.s32 $0x8F2B, s0  }
0xbd: {  	[sflag:s0] =	ssyncadd.remote.s32 $0x1  }
0xbe: {  	_ =	sfence.sel $0xFFFF  }
0xbf: {  	[dreg:$0x0] =	wrdreg $0xFFFFFFFF;
	(pc) =	sbr.abs _section_cstart, $3  }
0xc0: {  	[dreg:$0x1] =	wrdreg $0xFFFFFFFF  }
0xc1: {  	_ =	task.clear_ibuf [dreg:s7], $0x2FFFF;
	_ =	strace $0x9FFFFFFF  }
0xc2: {  	(tm) =	ssettm $0x7FFFFFFF  }
0xc3: {  	_ =	shalt  }
tec
execute0_lowered:
.L_overlay_start_1:
0x0: {  	(tag) =	ssettag $0x1  }
0x1: {  	s0 =	rddreg [dreg:$0x0]  }
0x2: {  	s1 =	rddreg [dreg:$0x1];
	s3 =	srdreg.scid  }
0x3: {  	s11 =	stileid.u32;
	s2 =	simm.s32 $0x0;
	s12 =	simm.s32 $0xB  }
0x4: {  	s13 =	simm.s32 $0x80;
	s14 =	simm.s32 $0x1C00;
	s15 =	simm.s32 $0x5C00  }
0x5: {  	s17 =	simm.s32 $0x9C00;
	s19 =	simm.s32 $0xDC00;
	s28 =	simm.s32 $0x8  }
0x6: {  	s29 =	simm.s32 $0x4;
	s30 =	simm.s32 $0x9;
	s31 =	simm.s32 $0x5  }
0x7: {  	s5 =	sand.u32 $0x1, s3;
	s21 =	sshll.u32 s11, $0x1;
	s24 =	smul.u32 $0x32000, s11  }
0x8: {  	[smem:$0x7FF] =	sst s2;
	s4 =	sor.u32 s5, s21;
	s26 =	smul.u32 $0x19000, s5  }
0x9: {  	s3 =	sadd.s32 $0x8000, s0;
	s7 =	ssub.s32 $0x2, s5;
	s6 =	smul.u32 $0x380, s4  }
0xa: {  	_ =	strace $0x80000047;
	s8 =	smul.u32 $0xC8000, s4;
	s22 =	sshrl.u32 s7, $0x1  }
0xb: {  	s21 =	simm.s32 $0x11C00;
	s9 =	smul.u32 $0x19000, s4;
	s10 =	ssub.s32 s7, s22  }
0xc: {  	s22 =	simm.s32 $0x1;
	s0 =	sadd.s32 s6, s0;
	s23 =	sshrl.u32 s8, $0x3  }
0xd: {  	s5 =	sadd.s32 s1, s9;
	s10 =	smax.u32 s10, $0x1;
	s0 =	sadd.s32 $0x1000, s0  }
0xe: {  	s25 =	sadd.s32 s1, s23;
	s1 =	sadd.s32 s24, s1;
	s23 =	simm.s32 $0x6  }
0xf: {  	s24 =	simm.s32 $0x2;
	[dreg:$0x3] =	wrdreg s0;
	s6 =	sadd.s32 $0x17000, s25  }
0x10: {  	s7 =	sadd.s32 $0x17800, s25;
	s8 =	sadd.s32 $0x18000, s25;
	s1 =	sadd.s32 s26, s1  }
0x11: {  	s9 =	sadd.s32 $0x18800, s25;
	s25 =	simm.s32 $0x7;
	s26 =	simm.s32 $0x3  }
0x12: {  	s0 =	simm.s32 $0xA;
	s11 =	sadd.s32 $0x1800, s1;
	s1 =	simm.s32 $0x0  }
.LBB2_1:
0x13: {  	s4 =	rddreg [dreg:$0x3]  }
0x14: {  	[tilespmem:s2], [sflag:$0xB] =	stream.linear.gather [hbm4b:s4+s2], $0x1900, $0x38;
	[tilespmem:$0x15C00] =	vst v63  }
0x15: {  	_ =	swait.ge [sflag:s12], $0x1900  }
0x16: {  	[sflag:s12] =	ssyncset.done $0x0  }
0x17: {  	[sflag:s12] =	ssyncadd.s32 $0xFFFFE700  }
0x18: {  	[tilespmem:s14], [sflag:$0x1] =	stream.indirect.gather [hbm4b:s3+s13], $0x80, s2, s13, $0xb8;
	[tilespmem:$0x15C00] =	vst v63  }
0x19: {  	_ = 	snop  }
0x1a: {  	[tilespmem:s15], [sflag:$0x2] =	stream.indirect.gather [hbm4b:s3+s13], $0x80, s13, s13, $0xb8;
	[tilespmem:$0x15C00] =	vst v63  }
0x1b: {  	s20 =	simm.s32 $0x100  }
0x1c: {  	[tilespmem:s17], [sflag:$0x3] =	stream.indirect.gather [hbm4b:s3+s13], $0x80, s20, s13, $0xb8;
	[tilespmem:$0x15C00] =	vst v63  }
0x1d: {  	s16 =	simm.s32 $0x180  }
0x1e: {  	[tilespmem:s19], [sflag:$0x4] =	stream.indirect.gather [hbm4b:s3+s13], $0x80, s16, s13, $0xb8;
	[tilespmem:$0x15C00] =	vst v63  }
0x1f: {  	s18 =	simm.s32 $0x200  }
0x20: {  	[tilespmem:s21], [sflag:$0x5] =	stream.indirect.gather [hbm4b:s3+s13], $0x80, s18, s13, $0xb8;
	[tilespmem:$0x15C00] =	vst v63  }
0x21: {  	_ =	swait.ge [sflag:s22], $0x4000  }
0x22: {  	[sflag:s22] =	ssyncset.done $0x0  }
0x23: {  	[sflag:s22] =	ssyncadd.s32 $0xFFFFC000  }
0x24: {  	[hbm4b:s5+s2] =	stream.linear.scatter [tilespmem:s14], [sflag:$0x6], $0x4000, $0x38;
	[tilespmem:$0x15C00] =	vst v63  }
0x25: {  	_ =	swait.ge [sflag:s23], $0x4000  }
0x26: {  	[sflag:s23] =	ssyncset.done $0x0  }
0x27: {  	s16 =	simm.s32 $0x280;
	[sflag:s23] =	ssyncadd.s32 $0xFFFFC000  }
0x28: {  	[tilespmem:s14], [sflag:$0x1] =	stream.indirect.gather [hbm4b:s3+s13], $0x80, s16, s13, $0xb8;
	[tilespmem:$0x15C00] =	vst v63  }
0x29: {  	_ =	swait.ge [sflag:s24], $0x4000  }
0x2a: {  	[sflag:s24] =	ssyncset.done $0x0  }
0x2b: {  	s20 =	sadd.s32 $0xFFFFF000, s11;
	[sflag:s24] =	ssyncadd.s32 $0xFFFFC000  }
0x2c: {  	[hbm4b:s20+s2] =	stream.linear.scatter [tilespmem:s15], [sflag:$0x7], $0x4000, $0x38;
	[tilespmem:$0x15C00] =	vst v63  }
0x2d: {  	_ =	swait.ge [sflag:s25], $0x4000  }
0x2e: {  	[sflag:s25] =	ssyncset.done $0x0  }
0x2f: {  	s4 =	simm.s32 $0x300;
	[sflag:s25] =	ssyncadd.s32 $0xFFFFC000  }
0x30: {  	[tilespmem:s15], [sflag:$0x2] =	stream.indirect.gather [hbm4b:s3+s13], $0x80, s4, s13, $0xb8;
	[tilespmem:$0x15C00] =	vst v63  }
0x31: {  	_ =	swait.ge [sflag:s26], $0x4000  }
0x32: {  	[sflag:s26] =	ssyncset.done $0x0  }
0x33: {  	s18 =	sadd.s32 $0xFFFFF800, s11;
	[sflag:s26] =	ssyncadd.s32 $0xFFFFC000  }
0x34: {  	[hbm4b:s18+s2] =	stream.linear.scatter [tilespmem:s17], [sflag:$0x8], $0x4000, $0x38;
	[tilespmem:$0x15C00] =	vst v63  }
0x35: {  	_ =	swait.ge [sflag:s28], $0x4000  }
0x36: {  	[sflag:s28] =	ssyncset.done $0x0  }
0x37: {  	s20 =	simm.s32 $0x380;
	[sflag:s28] =	ssyncadd.s32 $0xFFFFC000  }
0x38: {  	[tilespmem:s17], [sflag:$0x3] =	stream.indirect.gather [hbm4b:s3+s13], $0x80, s20, s13, $0xb8;
	[tilespmem:$0x15C00] =	vst v63  }
0x39: {  	_ =	swait.ge [sflag:s29], $0x4000  }
0x3a: {  	[sflag:s29] =	ssyncset.done $0x0  }
0x3b: {  	[sflag:s29] =	ssyncadd.s32 $0xFFFFC000  }
0x3c: {  	[hbm4b:s11+s2] =	stream.linear.scatter [tilespmem:s19], [sflag:$0x9], $0x4000, $0x38;
	[tilespmem:$0x15C00] =	vst v63  }
0x3d: {  	_ =	swait.ge [sflag:s30], $0x4000  }
0x3e: {  	[sflag:s30] =	ssyncset.done $0x0  }
0x3f: {  	s4 =	simm.s32 $0x400;
	[sflag:s30] =	ssyncadd.s32 $0xFFFFC000  }
0x40: {  	[tilespmem:s19], [sflag:$0x4] =	stream.indirect.gather [hbm4b:s3+s13], $0x80, s4, s13, $0xb8;
	[tilespmem:$0x15C00] =	vst v63  }
0x41: {  	_ =	swait.ge [sflag:s31], $0x4000  }
0x42: {  	[sflag:s31] =	ssyncset.done $0x0  }
0x43: {  	s18 =	sadd.s32 $0x800, s11;
	[sflag:s31] =	ssyncadd.s32 $0xFFFFC000  }
0x44: {  	[hbm4b:s18+s2] =	stream.linear.scatter [tilespmem:s21], [sflag:$0xA], $0x4000, $0x38;
	[tilespmem:$0x15C00] =	vst v63  }
0x45: {  	_ =	swait.ge [sflag:s0], $0x4000  }
0x46: {  	[sflag:s0] =	ssyncset.done $0x0  }
0x47: {  	s20 =	simm.s32 $0x480;
	[sflag:s0] =	ssyncadd.s32 $0xFFFFC000  }
0x48: {  	[tilespmem:s21], [sflag:$0x5] =	stream.indirect.gather [hbm4b:s3+s13], $0x80, s20, s13, $0xb8;
	[tilespmem:$0x15C00] =	vst v63  }
0x49: {  	_ =	swait.ge [sflag:s22], $0x4000  }
0x4a: {  	s16 =	simm.s32 $0xA00;
	[sflag:s22] =	ssyncset.done $0x0  }
0x4b: {  	s18 =	sadd.s32 $0x2800, s11;
	s20 =	sadd.s32 $0x1000, s11;
	[sflag:s22] =	ssyncadd.s32 $0xFFFFC000  }
.LBB2_2:
0x4c: {  	[hbm4b:s20+s2] =	stream.linear.scatter [tilespmem:s14], [sflag:$0x6], $0x4000, $0x38;
	[tilespmem:$0x15C00] =	vst v63  }
0x4d: {  	s20 =	smov.u32 s16  }
0x4e: {  	p0 =	sne.s32 s16, $0x5000;
	s16 =	sadd.s32 $0xA00, s16;
	_ =	swait.ge [sflag:s23], $0x4000  }
0x4f: {  	s20 =	sshra.s32 s20, $0x2;
	[sflag:s23] =	ssyncset.done $0x0  }
0x50: {  	s4 =	sadd.s32 $0x280, s20;
	[sflag:s23] =	ssyncadd.s32 $0xFFFFC000  }
0x51: {  	[tilespmem:s14], [sflag:$0x1] =	stream.indirect.gather [hbm4b:s3+s13], $0x80, s4, s13, $0xb8;
	[tilespmem:$0x15C00] =	vst v63  }
0x52: {  	_ =	swait.ge [sflag:s24], $0x4000  }
0x53: {  	[sflag:s24] =	ssyncset.done $0x0  }
0x54: {  	s4 =	sadd.s32 $0xFFFFF000, s18;
	[sflag:s24] =	ssyncadd.s32 $0xFFFFC000  }
0x55: {  	[hbm4b:s4+s2] =	stream.linear.scatter [tilespmem:s15], [sflag:$0x7], $0x4000, $0x38;
	[tilespmem:$0x15C00] =	vst v63  }
0x56: {  	_ =	swait.ge [sflag:s25], $0x4000  }
0x57: {  	[sflag:s25] =	ssyncset.done $0x0  }
0x58: {  	s4 =	sadd.s32 $0x300, s20;
	[sflag:s25] =	ssyncadd.s32 $0xFFFFC000  }
0x59: {  	[tilespmem:s15], [sflag:$0x2] =	stream.indirect.gather [hbm4b:s3+s13], $0x80, s4, s13, $0xb8;
	[tilespmem:$0x15C00] =	vst v63  }
0x5a: {  	_ =	swait.ge [sflag:s26], $0x4000  }
0x5b: {  	[sflag:s26] =	ssyncset.done $0x0  }
0x5c: {  	s4 =	sadd.s32 $0xFFFFF800, s18;
	[sflag:s26] =	ssyncadd.s32 $0xFFFFC000  }
0x5d: {  	[hbm4b:s4+s2] =	stream.linear.scatter [tilespmem:s17], [sflag:$0x8], $0x4000, $0x38;
	[tilespmem:$0x15C00] =	vst v63  }
0x5e: {  	_ =	swait.ge [sflag:s28], $0x4000  }
0x5f: {  	[sflag:s28] =	ssyncset.done $0x0  }
0x60: {  	s4 =	sadd.s32 $0x380, s20;
	[sflag:s28] =	ssyncadd.s32 $0xFFFFC000  }
0x61: {  	[tilespmem:s17], [sflag:$0x3] =	stream.indirect.gather [hbm4b:s3+s13], $0x80, s4, s13, $0xb8;
	[tilespmem:$0x15C00] =	vst v63  }
0x62: {  	_ =	swait.ge [sflag:s29], $0x4000  }
0x63: {  	[sflag:s29] =	ssyncset.done $0x0  }
0x64: {  	[sflag:s29] =	ssyncadd.s32 $0xFFFFC000  }
0x65: {  	[hbm4b:s18+s2] =	stream.linear.scatter [tilespmem:s19], [sflag:$0x9], $0x4000, $0x38;
	[tilespmem:$0x15C00] =	vst v63  }
0x66: {  	_ =	swait.ge [sflag:s30], $0x4000  }
0x67: {  	[sflag:s30] =	ssyncset.done $0x0  }
0x68: {  	s4 =	sadd.s32 $0x400, s20;
	[sflag:s30] =	ssyncadd.s32 $0xFFFFC000  }
0x69: {  	[tilespmem:s19], [sflag:$0x4] =	stream.indirect.gather [hbm4b:s3+s13], $0x80, s4, s13, $0xb8;
	[tilespmem:$0x15C00] =	vst v63  }
0x6a: {  	_ =	swait.ge [sflag:s31], $0x4000  }
0x6b: {  	[sflag:s31] =	ssyncset.done $0x0  }
0x6c: {  	s4 =	sadd.s32 $0x800, s18;
	[sflag:s31] =	ssyncadd.s32 $0xFFFFC000  }
0x6d: {  	[hbm4b:s4+s2] =	stream.linear.scatter [tilespmem:s21], [sflag:$0xA], $0x4000, $0x38;
	[tilespmem:$0x15C00] =	vst v63  }
0x6e: {  	_ =	swait.ge [sflag:s0], $0x4000  }
0x6f: {  	[sflag:s0] =	ssyncset.done $0x0  }
.Ltmp0:
0x70: {  	s4 =	sadd.s32 $0x480, s20;
	[sflag:s0] =	ssyncadd.s32 $0xFFFFC000;
	(pc) =	sbr.rel @p0 .LBB2_2-.Ltmp0, $4  }
0x71: {  	[tilespmem:s21], [sflag:$0x5] =	stream.indirect.gather [hbm4b:s3+s13], $0x80, s4, s13, $0xb8;
	[tilespmem:$0x15C00] =	vst v63  }
0x72: {  	_ =	swait.ge [sflag:s22], $0x4000  }
0x73: {  	[sflag:s22] =	ssyncset.done $0x0  }
0x74: {  	s20 =	sadd.s32 $0x1000, s18;
	s18 =	sadd.s32 $0x2800, s18;
	[sflag:s22] =	ssyncadd.s32 $0xFFFFC000  }
0x75: {  	[hbm4b:s20+s2] =	stream.linear.scatter [tilespmem:s14], [sflag:$0x6], $0x4000, $0x38;
	[tilespmem:$0x15C00] =	vst v63  }
0x76: {  	_ =	swait.ge [sflag:s24], $0x4000  }
0x77: {  	[sflag:s24] =	ssyncset.done $0x0  }
0x78: {  	[sflag:s24] =	ssyncadd.s32 $0xFFFFC000  }
0x79: {  	[hbm4b:s6+s2] =	stream.linear.scatter [tilespmem:s15], [sflag:$0x7], $0x4000, $0x38;
	[tilespmem:$0x15C00] =	vst v63  }
0x7a: {  	_ =	swait.ge [sflag:s26], $0x4000  }
0x7b: {  	[sflag:s26] =	ssyncset.done $0x0  }
0x7c: {  	[sflag:s26] =	ssyncadd.s32 $0xFFFFC000  }
0x7d: {  	[hbm4b:s7+s2] =	stream.linear.scatter [tilespmem:s17], [sflag:$0x8], $0x4000, $0x38;
	[tilespmem:$0x15C00] =	vst v63  }
0x7e: {  	_ =	swait.ge [sflag:s29], $0x4000  }
0x7f: {  	[sflag:s29] =	ssyncset.done $0x0  }
0x80: {  	[sflag:s29] =	ssyncadd.s32 $0xFFFFC000  }
0x81: {  	[hbm4b:s8+s2] =	stream.linear.scatter [tilespmem:s19], [sflag:$0x9], $0x4000, $0x38;
	[tilespmem:$0x15C00] =	vst v63  }
0x82: {  	_ =	swait.ge [sflag:s31], $0x4000  }
0x83: {  	[sflag:s31] =	ssyncset.done $0x0  }
0x84: {  	[sflag:s31] =	ssyncadd.s32 $0xFFFFC000  }
0x85: {  	[hbm4b:s9+s2] =	stream.linear.scatter [tilespmem:s21], [sflag:$0xA], $0x4000, $0x38;
	[tilespmem:$0x15C00] =	vst v63  }
0x86: {  	_ =	swait.ge [sflag:s23], $0x4000  }
0x87: {  	[sflag:s23] =	ssyncset.done $0x0  }
0x88: {  	[sflag:s23] =	ssyncadd.s32 $0xFFFFC000  }
0x89: {  	_ =	swait.ge [sflag:s25], $0x4000  }
0x8a: {  	[sflag:s25] =	ssyncset.done $0x0  }
0x8b: {  	[sflag:s25] =	ssyncadd.s32 $0xFFFFC000  }
0x8c: {  	_ =	swait.ge [sflag:s28], $0x4000  }
0x8d: {  	[sflag:s28] =	ssyncset.done $0x0  }
0x8e: {  	s1 =	sadd.s32 $0x1, s1;
	[sflag:s28] =	ssyncadd.s32 $0xFFFFC000  }
0x8f: {  	p0 =	sne.s32 s1, s10;
	_ =	swait.ge [sflag:s30], $0x4000  }
.Ltmp1:
0x90: {  	[sflag:s30] =	ssyncset.done $0x0;
	(pc) =	sbr.rel @p0 .LBB2_1-.Ltmp1, $4  }
0x91: {  	[sflag:s30] =	ssyncadd.s32 $0xFFFFC000  }
0x92: {  	_ =	swait.ge [sflag:s0], $0x4000  }
0x93: {  	[sflag:s0] =	ssyncset.done $0x0  }
0x94: {  	[sflag:s0] =	ssyncadd.s32 $0xFFFFC000  }
0x95: {  	_ =	sfence.sel $0x180000  }
0x96: {  	[bflag:$0x0] =	sbarrier.arrive $0xFFFF  }
0x97: {  	_ =	strace $0x90000047  }
0x98: {  	s0 =	stileid.u32;
	[bflag:$0x2] =	sbarrier.arrive $0xFFFF  }
0x99: {  	p0 =	sne.s32 s0, $0x0;
	s0 =	rddreg [dreg:$0x2]  }
0x9a: {  	s0 =	sadd.s32 @!p0 $0x100000, s0  }
0x9b: {  	[sflag:s0] =	ssyncadd.tile.s32 @!p0 $0x1;
	_ =	shalt  }
.Lfunc_end2:
_tile_overlayer_lowered:
.L_overlay_start_2:
0x9c: {  	(tag) =	ssettag $0x2  }
0x9d: {  	s0 =	rddreg [dreg:$0x0];
	s2 =	stileid.u32  }
0x9e: {  	s1 =	rddreg [dreg:$0x1];
	p0 =	sne.s32 s2, $0x0  }
0x9f: {  	s3 =	rddreg [dreg:$0x2];
	[bflag:$0x3] =	sbarrier.arrive $0xFFFF;
	s2 =	simm.s32 @!p0 $0x1C0B  }
0xa0: {  	[timem:s3], [sflag:s2] =	dma.local @!p0 [hbm:s0], s1  }
0xa1: {  	s0 =	simm.s32 @!p0 $0xB  }
0xa2: {  	_ =	swait.ge @!p0 [sflag:s0], s1  }
0xa3: {  	s1 =	ssub.s32 @!p0 $0x0, s1;
	[sflag:s0] =	ssyncset.done @!p0 $0x0  }
0xa4: {  	[sflag:s0] =	ssyncadd.s32 @!p0 s1  }
0xa5: {  	[bflag:$0x3] =	sbarrier.arrive $0xFFFF  }
0xa6: {  	_ =	shalt  }

</sc_bundles>
